<compile_context>
chip_gen: v7x
topology: tpu7x:2x2x1
jax: 0.10.2.dev20260603
libtpu: 0.0.44.dev20260713+nightly
codegen_flags: <defaults>
</compile_context>

<pallas_src>
import functools

import jax
import jax.numpy as jnp
from jax import lax
from jax.experimental import pallas as pl
from jax.experimental.pallas import tpu as pltpu
from jax.experimental.pallas import tpu_sc as plsc

BATCH = 4096
HIST = 200
EMBED_DIM = 64
NUM_CLASSES = 100

NUM_CORES = 2
NUM_SUBCORES = 16
NUM_WORKERS = NUM_CORES * NUM_SUBCORES
ROWS_PER_WORKER = BATCH // NUM_WORKERS
SPLIT0 = 104
SPLIT1 = HIST - SPLIT0


def _pool_kernel(x_hbm, table_hbm, out_hbm, idx_v, rows_v, pooled_v,
                 sem0, sem1):
    wid = lax.axis_index("s") * NUM_CORES + lax.axis_index("c")
    base = wid * ROWS_PER_WORKER

    pltpu.sync_copy(x_hbm.at[pl.ds(base * HIST, ROWS_PER_WORKER * HIST)],
                    idx_v)

    sems = (sem0, sem1)

    def row_copies(r, buf):
        return (
            pltpu.make_async_copy(
                table_hbm.at[idx_v.at[pl.ds(r * HIST, SPLIT0)]],
                rows_v.at[buf, pl.ds(0, SPLIT0)],
                sems[buf],
            ),
            pltpu.make_async_copy(
                table_hbm.at[idx_v.at[pl.ds(r * HIST + SPLIT0, SPLIT1)]],
                rows_v.at[buf, pl.ds(SPLIT0, SPLIT1)],
                sems[buf],
            ),
        )

    def fire(r, buf):
        for cp in row_copies(r, buf):
            cp.start()

    def wait(r, buf):
        for cp in row_copies(r, buf):
            cp.wait()

    def accumulate(r, buf):
        zeros = jnp.zeros((16,), jnp.float32)
        unroll = 4

        def body(j4, accs):
            j = j4 * unroll
            accs = list(accs)
            for u in range(unroll):
                for c in range(EMBED_DIM // 16):
                    accs[c] = accs[c] + rows_v[buf, j + u, pl.ds(c * 16, 16)]
            return tuple(accs)

        accs = lax.fori_loop(0, HIST // unroll, body,
                             (zeros,) * (EMBED_DIM // 16))
        for c in range(EMBED_DIM // 16):
            pooled_v[r, pl.ds(c * 16, 16)] = accs[c]

    fire(0, 0)

    def outer(r2, carry):
        r = r2 * 2
        fire(r + 1, 1)
        wait(r, 0)
        accumulate(r, 0)

        @pl.when(r + 2 < ROWS_PER_WORKER)
        def _():
            fire(r + 2, 0)

        wait(r + 1, 1)
        accumulate(r + 1, 1)
        return carry

    lax.fori_loop(0, ROWS_PER_WORKER // 2, outer, 0)

    pltpu.sync_copy(pooled_v, out_hbm.at[pl.ds(base, ROWS_PER_WORKER)])


def _pooled_sums(x, table):
    mesh = plsc.VectorSubcoreMesh(
        core_axis_name="c", subcore_axis_name="s",
        num_cores=NUM_CORES, num_subcores=NUM_SUBCORES)
    f = pl.kernel(
        _pool_kernel,
        out_type=jax.ShapeDtypeStruct((BATCH, EMBED_DIM), jnp.float32),
        mesh=mesh,
        scratch_types=[
            pltpu.VMEM((ROWS_PER_WORKER * HIST,), jnp.int32),
            pltpu.VMEM((2, HIST, EMBED_DIM), jnp.float32),
            pltpu.VMEM((ROWS_PER_WORKER, EMBED_DIM), jnp.float32),
            pltpu.SemaphoreType.DMA,
            pltpu.SemaphoreType.DMA,
        ],
        compiler_params=pltpu.CompilerParams(use_tc_tiling_on_sc=False),
    )
    return f(x.reshape(-1), table)


def _head_kernel(p_ref, wt_ref, b_ref, out_ref):
    out_ref[...] = (
        jnp.dot(p_ref[...], wt_ref[...],
                preferred_element_type=jnp.float32)
        + b_ref[...]
    )


def _classifier_head(pooled, Wt_pad, b_pad, n_pad):
    blk = 512
    return pl.pallas_call(
        _head_kernel,
        grid=(BATCH // blk,),
        in_specs=[
            pl.BlockSpec((blk, EMBED_DIM), lambda i: (i, 0)),
            pl.BlockSpec((EMBED_DIM, n_pad), lambda i: (0, 0)),
            pl.BlockSpec((1, n_pad), lambda i: (0, 0)),
        ],
        out_specs=pl.BlockSpec((blk, n_pad), lambda i: (i, 0)),
        out_shape=jax.ShapeDtypeStruct((BATCH, n_pad), jnp.float32),
    )(pooled, Wt_pad, b_pad)


@jax.jit
def kernel(x, table, W, b):
    x = x.astype(jnp.int32)
    pooled = _pooled_sums(x, table)

    n_pad = 128
    Wt_pad = jnp.zeros((EMBED_DIM, n_pad), jnp.float32)
    Wt_pad = Wt_pad.at[:, :NUM_CLASSES].set(W.T)
    b_pad = jnp.zeros((1, n_pad), jnp.float32).at[0, :NUM_CLASSES].set(b)

    out = _classifier_head(pooled, Wt_pad, b_pad, n_pad)
    return out[:, :NUM_CLASSES]

# --- scband reference (transcript-rebuilt; emitter-appended) ---
"""Pipeline reference for scband-single-cell-type-classifier-24189255811642 (READ-ONLY COPY).

The authoritative reference and input builder live on the scoring server;
editing this copy changes nothing except your own understanding.
"""

import jax, jax.numpy as jnp
import numpy as np

VOCAB = 1000000
EMBED_DIM = 64
NUM_CLASSES = 100
BATCH = 4096
HIST = 200


def setup_inputs(seed: int = 0) -> dict:
    key = jax.random.key(seed)
    k1, k2, k3 = jax.random.split(key, 3)
    x = jax.random.randint(k1, (BATCH, HIST), 0, VOCAB, dtype=jnp.int64 if jax.config.jax_enable_x64 else jnp.int32)
    # Region2Vec embedding table (nn.Embedding weight)
    table = jax.random.normal(k2, (VOCAB, EMBED_DIM), dtype=jnp.float32) * 0.02
    # output_layer = nn.Linear(embedding_dim, num_classes)
    W = jax.random.normal(k3, (NUM_CLASSES, EMBED_DIM), dtype=jnp.float32) * 0.02
    b = jnp.zeros((NUM_CLASSES,), dtype=jnp.float32)
    return {"x": x, "table": table, "W": W, "b": b}


def reference(x, table, W, b):
    # self.region2vec(x): embedding lookup -> [B, L, D]
    emb = jnp.take(table, x, axis=0)
    # x.sum(dim=1): sum-pool over region tokens -> [B, D]
    pooled = emb.sum(axis=1)
    # self.output_layer(x): Linear -> [B, num_classes]
    out = pooled @ W.T + b
    return out

if __name__ == "__main__":
    import jax
    _d = setup_inputs()
    print(jax.jit(kernel)(*tuple(_d.values())))

</pallas_src>

<mosaic_0001>
#map = affine_map<(d0, d1) -> (0)>
#map1 = affine_map<(d0, d1) -> (0, 0)>
module attributes {stable_mosaic.version = 14 : i64} {
  func.func @_pool_kernel(%arg0: i32, %arg1: i32, %arg2: memref<819200xi32, #tpu.memory_space<hbm>>, %arg3: memref<1000000x64xf32, #tpu.memory_space<hbm>>, %arg4: memref<4096x64xf32, #tpu.memory_space<hbm>>, %arg5: memref<25600xi32, #tpu.memory_space<vmem>>, %arg6: memref<2x200x64xf32, #tpu.memory_space<vmem>>, %arg7: memref<128x64xf32, #tpu.memory_space<vmem>>, %arg8: memref<!tpu.dma_semaphore, #tpu.memory_space<semaphore_mem>>, %arg9: memref<!tpu.dma_semaphore, #tpu.memory_space<semaphore_mem>>) attributes {dimension_semantics = [#tpu.dimension_semantics<core_parallel>, #tpu.dimension_semantics<subcore_parallel>], iteration_bounds = array<i64: 2, 16>, scalar_prefetch = 0 : i64, scratch_operands = 5 : i64, tpu.core_type = #tpu.core_type<sc_vector_subcore>, window_params = [{transform_indices = #map}, {transform_indices = #map1}, {transform_indices = #map1}]} {
    %mul3A = arith.constant 2 : i32
    %mul3A_0 = arith.muli %arg1, %mul3A : i32
    %add3A = arith.addi %mul3A_0, %arg0 : i32
    %mul3A_1 = arith.constant 128 : i32
    %mul3A_2 = arith.muli %add3A, %mul3A_1 : i32
    %mul3A_3 = arith.constant 200 : i32
    %mul3A_4 = arith.muli %mul3A_2, %mul3A_3 : i32
    "tpu.region"() ({
      %run_scoped3A = tpu.sem_alloc : memref<!tpu.dma_semaphore, #tpu.memory_space<semaphore_mem>>
      %dma_start3A_29 = tpu.memref_slice %arg2[%mul3A_4] : memref<819200xi32, #tpu.memory_space<hbm>> -> memref<25600xi32, #tpu.memory_space<hbm>>
      %dma_start3A_30 = tpu.memref_slice %arg2[%mul3A_4] : memref<819200xi32, #tpu.memory_space<hbm>> -> memref<25600xi32, #tpu.memory_space<hbm>>
      tpu.enqueue_dma source(%dma_start3A_30 : memref<25600xi32, #tpu.memory_space<hbm>>) target(%arg5 : memref<25600xi32, #tpu.memory_space<vmem>>) target_semaphore(%run_scoped3A : memref<!tpu.dma_semaphore, #tpu.memory_space<semaphore_mem>>)
      %dma_wait3A = tpu.memref_slice %arg2[%mul3A_4] : memref<819200xi32, #tpu.memory_space<hbm>> -> memref<25600xi32, #tpu.memory_space<hbm>>
      %dma_wait3A_31 = tpu.memref_slice %arg2[%mul3A_4] : memref<819200xi32, #tpu.memory_space<hbm>> -> memref<25600xi32, #tpu.memory_space<hbm>>
      tpu.wait_dma2 semaphore(%run_scoped3A : memref<!tpu.dma_semaphore, #tpu.memory_space<semaphore_mem>>) src(%dma_wait3A_31 : memref<25600xi32, #tpu.memory_space<hbm>>) dst(%arg5 : memref<25600xi32, #tpu.memory_space<vmem>>)
      tpu.yield
    }) : () -> ()
    %dma_start3A = arith.constant 0 : i32
    %dma_start3A_5 = arith.constant 0 : i32
    %dma_start3A_6 = arith.constant 0 : i32
    %dma_start3A_7 = tpu.memref_slice %arg6[%dma_start3A, %dma_start3A_5, %dma_start3A_6] : memref<2x200x64xf32, #tpu.memory_space<vmem>> -> memref<1x104x64xf32, #tpu.memory_space<vmem>>
    %dma_start3A_8 = tpu.memref_squeeze %dma_start3A_7 : memref<1x104x64xf32, #tpu.memory_space<vmem>> -> memref<104x64xf32, #tpu.memory_space<vmem>>
    %dma_start3A_9 = arith.constant 0 : i32
    %dma_start3A_10 = tpu.memref_slice %arg5[%dma_start3A_9] : memref<25600xi32, #tpu.memory_space<vmem>> -> memref<104xi32, #tpu.memory_space<vmem>>
    %dma_start3A_11 = arith.constant 0 : i32
    %dma_start3A_12 = arith.constant 0 : i32
    %dma_start3A_13 = tpu.memref_slice %arg3[%dma_start3A_11, %dma_start3A_12] : memref<1000000x64xf32, #tpu.memory_space<hbm>> -> memref<1000000x64xf32, #tpu.memory_space<hbm>>
    tpu.enqueue_indirect_dma source(%dma_start3A_13 : memref<1000000x64xf32, #tpu.memory_space<hbm>>) target(%dma_start3A_8 : memref<104x64xf32, #tpu.memory_space<vmem>>) offsets(%dma_start3A_10 : memref<104xi32, #tpu.memory_space<vmem>>) semaphore(%arg8 : memref<!tpu.dma_semaphore, #tpu.memory_space<semaphore_mem>>)
    %dma_start3A_14 = arith.constant 0 : i32
    %dma_start3A_15 = arith.constant 104 : i32
    %dma_start3A_16 = arith.constant 0 : i32
    %dma_start3A_17 = tpu.memref_slice %arg6[%dma_start3A_14, %dma_start3A_15, %dma_start3A_16] : memref<2x200x64xf32, #tpu.memory_space<vmem>> -> memref<1x96x64xf32, #tpu.memory_space<vmem>>
    %dma_start3A_18 = tpu.memref_squeeze %dma_start3A_17 : memref<1x96x64xf32, #tpu.memory_space<vmem>> -> memref<96x64xf32, #tpu.memory_space<vmem>>
    %dma_start3A_19 = arith.constant 104 : i32
    %dma_start3A_20 = tpu.memref_slice %arg5[%dma_start3A_19] : memref<25600xi32, #tpu.memory_space<vmem>> -> memref<96xi32, #tpu.memory_space<vmem>>
    %dma_start3A_21 = arith.constant 0 : i32
    %dma_start3A_22 = arith.constant 0 : i32
    %dma_start3A_23 = tpu.memref_slice %arg3[%dma_start3A_21, %dma_start3A_22] : memref<1000000x64xf32, #tpu.memory_space<hbm>> -> memref<1000000x64xf32, #tpu.memory_space<hbm>>
    tpu.enqueue_indirect_dma source(%dma_start3A_23 : memref<1000000x64xf32, #tpu.memory_space<hbm>>) target(%dma_start3A_18 : memref<96x64xf32, #tpu.memory_space<vmem>>) offsets(%dma_start3A_20 : memref<96xi32, #tpu.memory_space<vmem>>) semaphore(%arg8 : memref<!tpu.dma_semaphore, #tpu.memory_space<semaphore_mem>>)
    %scan3A = arith.constant 0 : i32
    %scan3A_24 = arith.constant 0 : i32
    %scan3A_25 = arith.constant 64 : i32
    %scan3A_26 = arith.addi %scan3A_24, %scan3A_25 : i32
    %scan3A_27 = arith.constant 1 : i32
    scf.for %scan3A_29 = %scan3A_24 to %scan3A_26 step %scan3A_27  : i32 {
      %mul3A_30 = arith.constant 2 : i32
      %mul3A_31 = arith.muli %scan3A_29, %mul3A_30 : i32
      %add3A_32 = arith.constant 1 : i32
      %add3A_33 = arith.addi %mul3A_31, %add3A_32 : i32
      %mul3A_34 = arith.constant 200 : i32
      %mul3A_35 = arith.muli %add3A_33, %mul3A_34 : i32
      %mul3A_36 = arith.constant 200 : i32
      %mul3A_37 = arith.muli %add3A_33, %mul3A_36 : i32
      %add3A_38 = arith.constant 104 : i32
      %add3A_39 = arith.addi %mul3A_37, %add3A_38 : i32
      %dma_start3A_40 = arith.constant 1 : i32
      %dma_start3A_41 = arith.constant 0 : i32
      %dma_start3A_42 = arith.constant 0 : i32
      %dma_start3A_43 = tpu.memref_slice %arg6[%dma_start3A_40, %dma_start3A_41, %dma_start3A_42] : memref<2x200x64xf32, #tpu.memory_space<vmem>> -> memref<1x104x64xf32, #tpu.memory_space<vmem>>
      %dma_start3A_44 = tpu.memref_squeeze %dma_start3A_43 : memref<1x104x64xf32, #tpu.memory_space<vmem>> -> memref<104x64xf32, #tpu.memory_space<vmem>>
      %dma_start3A_45 = tpu.memref_slice %arg5[%mul3A_35] : memref<25600xi32, #tpu.memory_space<vmem>> -> memref<104xi32, #tpu.memory_space<vmem>>
      %dma_start3A_46 = arith.constant 0 : i32
      %dma_start3A_47 = arith.constant 0 : i32
      %dma_start3A_48 = tpu.memref_slice %arg3[%dma_start3A_46, %dma_start3A_47] : memref<1000000x64xf32, #tpu.memory_space<hbm>> -> memref<1000000x64xf32, #tpu.memory_space<hbm>>
      tpu.enqueue_indirect_dma source(%dma_start3A_48 : memref<1000000x64xf32, #tpu.memory_space<hbm>>) target(%dma_start3A_44 : memref<104x64xf32, #tpu.memory_space<vmem>>) offsets(%dma_start3A_45 : memref<104xi32, #tpu.memory_space<vmem>>) semaphore(%arg9 : memref<!tpu.dma_semaphore, #tpu.memory_space<semaphore_mem>>)
      %dma_start3A_49 = arith.constant 1 : i32
      %dma_start3A_50 = arith.constant 104 : i32
      %dma_start3A_51 = arith.constant 0 : i32
      %dma_start3A_52 = tpu.memref_slice %arg6[%dma_start3A_49, %dma_start3A_50, %dma_start3A_51] : memref<2x200x64xf32, #tpu.memory_space<vmem>> -> memref<1x96x64xf32, #tpu.memory_space<vmem>>
      %dma_start3A_53 = tpu.memref_squeeze %dma_start3A_52 : memref<1x96x64xf32, #tpu.memory_space<vmem>> -> memref<96x64xf32, #tpu.memory_space<vmem>>
      %dma_start3A_54 = tpu.memref_slice %arg5[%add3A_39] : memref<25600xi32, #tpu.memory_space<vmem>> -> memref<96xi32, #tpu.memory_space<vmem>>
      %dma_start3A_55 = arith.constant 0 : i32
      %dma_start3A_56 = arith.constant 0 : i32
      %dma_start3A_57 = tpu.memref_slice %arg3[%dma_start3A_55, %dma_start3A_56] : memref<1000000x64xf32, #tpu.memory_space<hbm>> -> memref<1000000x64xf32, #tpu.memory_space<hbm>>
      tpu.enqueue_indirect_dma source(%dma_start3A_57 : memref<1000000x64xf32, #tpu.memory_space<hbm>>) target(%dma_start3A_53 : memref<96x64xf32, #tpu.memory_space<vmem>>) offsets(%dma_start3A_54 : memref<96xi32, #tpu.memory_space<vmem>>) semaphore(%arg9 : memref<!tpu.dma_semaphore, #tpu.memory_space<semaphore_mem>>)
      %mul3A_58 = arith.constant 200 : i32
      %mul3A_59 = arith.muli %mul3A_31, %mul3A_58 : i32
      %mul3A_60 = arith.constant 200 : i32
      %mul3A_61 = arith.muli %mul3A_31, %mul3A_60 : i32
      %add3A_62 = arith.constant 104 : i32
      %add3A_63 = arith.addi %mul3A_61, %add3A_62 : i32
      %dma_wait3A = arith.constant 0 : i32
      %dma_wait3A_64 = arith.constant 0 : i32
      %dma_wait3A_65 = arith.constant 0 : i32
      %dma_wait3A_66 = tpu.memref_slice %arg6[%dma_wait3A, %dma_wait3A_64, %dma_wait3A_65] : memref<2x200x64xf32, #tpu.memory_space<vmem>> -> memref<1x104x64xf32, #tpu.memory_space<vmem>>
      %dma_wait3A_67 = tpu.memref_squeeze %dma_wait3A_66 : memref<1x104x64xf32, #tpu.memory_space<vmem>> -> memref<104x64xf32, #tpu.memory_space<vmem>>
      %dma_wait3A_68 = tpu.memref_slice %arg5[%mul3A_59] : memref<25600xi32, #tpu.memory_space<vmem>> -> memref<104xi32, #tpu.memory_space<vmem>>
      %dma_wait3A_69 = arith.constant 0 : i32
      %dma_wait3A_70 = arith.constant 0 : i32
      %dma_wait3A_71 = tpu.memref_slice %arg3[%dma_wait3A_69, %dma_wait3A_70] : memref<1000000x64xf32, #tpu.memory_space<hbm>> -> memref<1000000x64xf32, #tpu.memory_space<hbm>>
      tpu.wait_indirect_dma semaphore(%arg8 : memref<!tpu.dma_semaphore, #tpu.memory_space<semaphore_mem>>) src(%dma_wait3A_71 : memref<1000000x64xf32, #tpu.memory_space<hbm>>) dst(%dma_wait3A_67 : memref<104x64xf32, #tpu.memory_space<vmem>>)
      %dma_wait3A_72 = arith.constant 0 : i32
      %dma_wait3A_73 = arith.constant 104 : i32
      %dma_wait3A_74 = arith.constant 0 : i32
      %dma_wait3A_75 = tpu.memref_slice %arg6[%dma_wait3A_72, %dma_wait3A_73, %dma_wait3A_74] : memref<2x200x64xf32, #tpu.memory_space<vmem>> -> memref<1x96x64xf32, #tpu.memory_space<vmem>>
      %dma_wait3A_76 = tpu.memref_squeeze %dma_wait3A_75 : memref<1x96x64xf32, #tpu.memory_space<vmem>> -> memref<96x64xf32, #tpu.memory_space<vmem>>
      %dma_wait3A_77 = tpu.memref_slice %arg5[%add3A_63] : memref<25600xi32, #tpu.memory_space<vmem>> -> memref<96xi32, #tpu.memory_space<vmem>>
      %dma_wait3A_78 = arith.constant 0 : i32
      %dma_wait3A_79 = arith.constant 0 : i32
      %dma_wait3A_80 = tpu.memref_slice %arg3[%dma_wait3A_78, %dma_wait3A_79] : memref<1000000x64xf32, #tpu.memory_space<hbm>> -> memref<1000000x64xf32, #tpu.memory_space<hbm>>
      tpu.wait_indirect_dma semaphore(%arg8 : memref<!tpu.dma_semaphore, #tpu.memory_space<semaphore_mem>>) src(%dma_wait3A_80 : memref<1000000x64xf32, #tpu.memory_space<hbm>>) dst(%dma_wait3A_76 : memref<96x64xf32, #tpu.memory_space<vmem>>)
      %broadcast_in_dim3A = arith.constant 0.000000e+00 : f32
      %broadcast_in_dim3A_81 = vector.broadcast %broadcast_in_dim3A : f32 to vector<16xf32>
      %scan3A_82 = arith.constant 0 : i32
      %scan3A_83 = arith.constant 50 : i32
      %scan3A_84 = arith.addi %scan3A_82, %scan3A_83 : i32
      %scan3A_85 = arith.constant 1 : i32
      %scan3A_86:4 = scf.for %scan3A_167 = %scan3A_82 to %scan3A_84 step %scan3A_85 iter_args(%scan3A_168 = %broadcast_in_dim3A_81, %scan3A_169 = %broadcast_in_dim3A_81, %scan3A_170 = %broadcast_in_dim3A_81, %scan3A_171 = %broadcast_in_dim3A_81) -> (vector<16xf32>, vector<16xf32>, vector<16xf32>, vector<16xf32>)  : i32 {
        %mul3A_172 = arith.constant 4 : i32
        %mul3A_173 = arith.muli %scan3A_167, %mul3A_172 : i32
        %add3A_174 = arith.constant 0 : i32
        %add3A_175 = arith.addi %mul3A_173, %add3A_174 : i32
        %get3A = arith.constant 0 : i32
        %get3A_176 = arith.index_cast %get3A : i32 to index
        %get3A_177 = arith.index_cast %add3A_175 : i32 to index
        %get3A_178 = arith.constant 0 : index
        %get3A_179 = tpu.vector_load %arg6[%get3A_176, %get3A_177, %get3A_178] {strides = array<i32>} : memref<2x200x64xf32, #tpu.memory_space<vmem>>, vector<1x1x16xf32>,
        %get3A_180 = vector.shape_cast %get3A_179 : vector<1x1x16xf32> to vector<16xf32>
        %add3A_181 = arith.addf %scan3A_168, %get3A_180 : vector<16xf32>
        %add3A_182 = arith.constant 0 : i32
        %add3A_183 = arith.addi %mul3A_173, %add3A_182 : i32
        %get3A_184 = arith.constant 0 : i32
        %get3A_185 = arith.index_cast %get3A_184 : i32 to index
        %get3A_186 = arith.index_cast %add3A_183 : i32 to index
        %get3A_187 = arith.constant 16 : index
        %get3A_188 = tpu.vector_load %arg6[%get3A_185, %get3A_186, %get3A_187] {strides = array<i32>} : memref<2x200x64xf32, #tpu.memory_space<vmem>>, vector<1x1x16xf32>,
        %get3A_189 = vector.shape_cast %get3A_188 : vector<1x1x16xf32> to vector<16xf32>
        %add3A_190 = arith.addf %scan3A_169, %get3A_189 : vector<16xf32>
        %add3A_191 = arith.constant 0 : i32
        %add3A_192 = arith.addi %mul3A_173, %add3A_191 : i32
        %get3A_193 = arith.constant 0 : i32
        %get3A_194 = arith.index_cast %get3A_193 : i32 to index
        %get3A_195 = arith.index_cast %add3A_192 : i32 to index
        %get3A_196 = arith.constant 32 : index
        %get3A_197 = tpu.vector_load %arg6[%get3A_194, %get3A_195, %get3A_196] {strides = array<i32>} : memref<2x200x64xf32, #tpu.memory_space<vmem>>, vector<1x1x16xf32>,
        %get3A_198 = vector.shape_cast %get3A_197 : vector<1x1x16xf32> to vector<16xf32>
        %add3A_199 = arith.addf %scan3A_170, %get3A_198 : vector<16xf32>
        %add3A_200 = arith.constant 0 : i32
        %add3A_201 = arith.addi %mul3A_173, %add3A_200 : i32
        %get3A_202 = arith.constant 0 : i32
        %get3A_203 = arith.index_cast %get3A_202 : i32 to index
        %get3A_204 = arith.index_cast %add3A_201 : i32 to index
        %get3A_205 = arith.constant 48 : index
        %get3A_206 = tpu.vector_load %arg6[%get3A_203, %get3A_204, %get3A_205] {strides = array<i32>} : memref<2x200x64xf32, #tpu.memory_space<vmem>>, vector<1x1x16xf32>,
        %get3A_207 = vector.shape_cast %get3A_206 : vector<1x1x16xf32> to vector<16xf32>
        %add3A_208 = arith.addf %scan3A_171, %get3A_207 : vector<16xf32>
        %add3A_209 = arith.constant 1 : i32
        %add3A_210 = arith.addi %mul3A_173, %add3A_209 : i32
        %get3A_211 = arith.constant 0 : i32
        %get3A_212 = arith.index_cast %get3A_211 : i32 to index
        %get3A_213 = arith.index_cast %add3A_210 : i32 to index
        %get3A_214 = arith.constant 0 : index
        %get3A_215 = tpu.vector_load %arg6[%get3A_212, %get3A_213, %get3A_214] {strides = array<i32>} : memref<2x200x64xf32, #tpu.memory_space<vmem>>, vector<1x1x16xf32>,
        %get3A_216 = vector.shape_cast %get3A_215 : vector<1x1x16xf32> to vector<16xf32>
        %add3A_217 = arith.addf %add3A_181, %get3A_216 : vector<16xf32>
        %add3A_218 = arith.constant 1 : i32
        %add3A_219 = arith.addi %mul3A_173, %add3A_218 : i32
        %get3A_220 = arith.constant 0 : i32
        %get3A_221 = arith.index_cast %get3A_220 : i32 to index
        %get3A_222 = arith.index_cast %add3A_219 : i32 to index
        %get3A_223 = arith.constant 16 : index
        %get3A_224 = tpu.vector_load %arg6[%get3A_221, %get3A_222, %get3A_223] {strides = array<i32>} : memref<2x200x64xf32, #tpu.memory_space<vmem>>, vector<1x1x16xf32>,
        %get3A_225 = vector.shape_cast %get3A_224 : vector<1x1x16xf32> to vector<16xf32>
        %add3A_226 = arith.addf %add3A_190, %get3A_225 : vector<16xf32>
        %add3A_227 = arith.constant 1 : i32
        %add3A_228 = arith.addi %mul3A_173, %add3A_227 : i32
        %get3A_229 = arith.constant 0 : i32
        %get3A_230 = arith.index_cast %get3A_229 : i32 to index
        %get3A_231 = arith.index_cast %add3A_228 : i32 to index
        %get3A_232 = arith.constant 32 : index
        %get3A_233 = tpu.vector_load %arg6[%get3A_230, %get3A_231, %get3A_232] {strides = array<i32>} : memref<2x200x64xf32, #tpu.memory_space<vmem>>, vector<1x1x16xf32>,
        %get3A_234 = vector.shape_cast %get3A_233 : vector<1x1x16xf32> to vector<16xf32>
        %add3A_235 = arith.addf %add3A_199, %get3A_234 : vector<16xf32>
        %add3A_236 = arith.constant 1 : i32
        %add3A_237 = arith.addi %mul3A_173, %add3A_236 : i32
        %get3A_238 = arith.constant 0 : i32
        %get3A_239 = arith.index_cast %get3A_238 : i32 to index
        %get3A_240 = arith.index_cast %add3A_237 : i32 to index
        %get3A_241 = arith.constant 48 : index
        %get3A_242 = tpu.vector_load %arg6[%get3A_239, %get3A_240, %get3A_241] {strides = array<i32>} : memref<2x200x64xf32, #tpu.memory_space<vmem>>, vector<1x1x16xf32>,
        %get3A_243 = vector.shape_cast %get3A_242 : vector<1x1x16xf32> to vector<16xf32>
        %add3A_244 = arith.addf %add3A_208, %get3A_243 : vector<16xf32>
        %add3A_245 = arith.constant 2 : i32
        %add3A_246 = arith.addi %mul3A_173, %add3A_245 : i32
        %get3A_247 = arith.constant 0 : i32
        %get3A_248 = arith.index_cast %get3A_247 : i32 to index
        %get3A_249 = arith.index_cast %add3A_246 : i32 to index
        %get3A_250 = arith.constant 0 : index
        %get3A_251 = tpu.vector_load %arg6[%get3A_248, %get3A_249, %get3A_250] {strides = array<i32>} : memref<2x200x64xf32, #tpu.memory_space<vmem>>, vector<1x1x16xf32>,
        %get3A_252 = vector.shape_cast %get3A_251 : vector<1x1x16xf32> to vector<16xf32>
        %add3A_253 = arith.addf %add3A_217, %get3A_252 : vector<16xf32>
        %add3A_254 = arith.constant 2 : i32
        %add3A_255 = arith.addi %mul3A_173, %add3A_254 : i32
        %get3A_256 = arith.constant 0 : i32
        %get3A_257 = arith.index_cast %get3A_256 : i32 to index
        %get3A_258 = arith.index_cast %add3A_255 : i32 to index
        %get3A_259 = arith.constant 16 : index
        %get3A_260 = tpu.vector_load %arg6[%get3A_257, %get3A_258, %get3A_259] {strides = array<i32>} : memref<2x200x64xf32, #tpu.memory_space<vmem>>, vector<1x1x16xf32>,
        %get3A_261 = vector.shape_cast %get3A_260 : vector<1x1x16xf32> to vector<16xf32>
        %add3A_262 = arith.addf %add3A_226, %get3A_261 : vector<16xf32>
        %add3A_263 = arith.constant 2 : i32
        %add3A_264 = arith.addi %mul3A_173, %add3A_263 : i32
        %get3A_265 = arith.constant 0 : i32
        %get3A_266 = arith.index_cast %get3A_265 : i32 to index
        %get3A_267 = arith.index_cast %add3A_264 : i32 to index
        %get3A_268 = arith.constant 32 : index
        %get3A_269 = tpu.vector_load %arg6[%get3A_266, %get3A_267, %get3A_268] {strides = array<i32>} : memref<2x200x64xf32, #tpu.memory_space<vmem>>, vector<1x1x16xf32>,
        %get3A_270 = vector.shape_cast %get3A_269 : vector<1x1x16xf32> to vector<16xf32>
        %add3A_271 = arith.addf %add3A_235, %get3A_270 : vector<16xf32>
        %add3A_272 = arith.constant 2 : i32
        %add3A_273 = arith.addi %mul3A_173, %add3A_272 : i32
        %get3A_274 = arith.constant 0 : i32
        %get3A_275 = arith.index_cast %get3A_274 : i32 to index
        %get3A_276 = arith.index_cast %add3A_273 : i32 to index
        %get3A_277 = arith.constant 48 : index
        %get3A_278 = tpu.vector_load %arg6[%get3A_275, %get3A_276, %get3A_277] {strides = array<i32>} : memref<2x200x64xf32, #tpu.memory_space<vmem>>, vector<1x1x16xf32>,
        %get3A_279 = vector.shape_cast %get3A_278 : vector<1x1x16xf32> to vector<16xf32>
        %add3A_280 = arith.addf %add3A_244, %get3A_279 : vector<16xf32>
        %add3A_281 = arith.constant 3 : i32
        %add3A_282 = arith.addi %mul3A_173, %add3A_281 : i32
        %get3A_283 = arith.constant 0 : i32
        %get3A_284 = arith.index_cast %get3A_283 : i32 to index
        %get3A_285 = arith.index_cast %add3A_282 : i32 to index
        %get3A_286 = arith.constant 0 : index
        %get3A_287 = tpu.vector_load %arg6[%get3A_284, %get3A_285, %get3A_286] {strides = array<i32>} : memref<2x200x64xf32, #tpu.memory_space<vmem>>, vector<1x1x16xf32>,
        %get3A_288 = vector.shape_cast %get3A_287 : vector<1x1x16xf32> to vector<16xf32>
        %add3A_289 = arith.addf %add3A_253, %get3A_288 : vector<16xf32>
        %add3A_290 = arith.constant 3 : i32
        %add3A_291 = arith.addi %mul3A_173, %add3A_290 : i32
        %get3A_292 = arith.constant 0 : i32
        %get3A_293 = arith.index_cast %get3A_292 : i32 to index
        %get3A_294 = arith.index_cast %add3A_291 : i32 to index
        %get3A_295 = arith.constant 16 : index
        %get3A_296 = tpu.vector_load %arg6[%get3A_293, %get3A_294, %get3A_295] {strides = array<i32>} : memref<2x200x64xf32, #tpu.memory_space<vmem>>, vector<1x1x16xf32>,
        %get3A_297 = vector.shape_cast %get3A_296 : vector<1x1x16xf32> to vector<16xf32>
        %add3A_298 = arith.addf %add3A_262, %get3A_297 : vector<16xf32>
        %add3A_299 = arith.constant 3 : i32
        %add3A_300 = arith.addi %mul3A_173, %add3A_299 : i32
        %get3A_301 = arith.constant 0 : i32
        %get3A_302 = arith.index_cast %get3A_301 : i32 to index
        %get3A_303 = arith.index_cast %add3A_300 : i32 to index
        %get3A_304 = arith.constant 32 : index
        %get3A_305 = tpu.vector_load %arg6[%get3A_302, %get3A_303, %get3A_304] {strides = array<i32>} : memref<2x200x64xf32, #tpu.memory_space<vmem>>, vector<1x1x16xf32>,
        %get3A_306 = vector.shape_cast %get3A_305 : vector<1x1x16xf32> to vector<16xf32>
        %add3A_307 = arith.addf %add3A_271, %get3A_306 : vector<16xf32>
        %add3A_308 = arith.constant 3 : i32
        %add3A_309 = arith.addi %mul3A_173, %add3A_308 : i32
        %get3A_310 = arith.constant 0 : i32
        %get3A_311 = arith.index_cast %get3A_310 : i32 to index
        %get3A_312 = arith.index_cast %add3A_309 : i32 to index
        %get3A_313 = arith.constant 48 : index
        %get3A_314 = tpu.vector_load %arg6[%get3A_311, %get3A_312, %get3A_313] {strides = array<i32>} : memref<2x200x64xf32, #tpu.memory_space<vmem>>, vector<1x1x16xf32>,
        %get3A_315 = vector.shape_cast %get3A_314 : vector<1x1x16xf32> to vector<16xf32>
        %add3A_316 = arith.addf %add3A_280, %get3A_315 : vector<16xf32>
        scf.yield %add3A_289, %add3A_298, %add3A_307, %add3A_316 : vector<16xf32>, vector<16xf32>, vector<16xf32>, vector<16xf32>
      }
      %scan3A_87 = arith.constant 50 : i32
      %swap3A = arith.index_cast %mul3A_31 : i32 to index
      %swap3A_88 = arith.constant 0 : index
      %swap3A_89 = tpu.vector_load %arg7[%swap3A, %swap3A_88] {strides = array<i32>} : memref<128x64xf32, #tpu.memory_space<vmem>>, vector<1x16xf32>,
      %swap3A_90 = vector.shape_cast %swap3A_89 : vector<1x16xf32> to vector<16xf32>
      %swap3A_91 = vector.shape_cast %scan3A_86#0 : vector<16xf32> to vector<1x16xf32>
      tpu.vector_store %arg7[%swap3A, %swap3A_88], %swap3A_91 {strides = array<i32>} : memref<128x64xf32, #tpu.memory_space<vmem>>, vector<1x16xf32>,
      %swap3A_92 = arith.index_cast %mul3A_31 : i32 to index
      %swap3A_93 = arith.constant 16 : index
      %swap3A_94 = tpu.vector_load %arg7[%swap3A_92, %swap3A_93] {strides = array<i32>} : memref<128x64xf32, #tpu.memory_space<vmem>>, vector<1x16xf32>,
      %swap3A_95 = vector.shape_cast %swap3A_94 : vector<1x16xf32> to vector<16xf32>
      %swap3A_96 = vector.shape_cast %scan3A_86#1 : vector<16xf32> to vector<1x16xf32>
      tpu.vector_store %arg7[%swap3A_92, %swap3A_93], %swap3A_96 {strides = array<i32>} : memref<128x64xf32, #tpu.memory_space<vmem>>, vector<1x16xf32>,
      %swap3A_97 = arith.index_cast %mul3A_31 : i32 to index
      %swap3A_98 = arith.constant 32 : index
      %swap3A_99 = tpu.vector_load %arg7[%swap3A_97, %swap3A_98] {strides = array<i32>} : memref<128x64xf32, #tpu.memory_space<vmem>>, vector<1x16xf32>,
      %swap3A_100 = vector.shape_cast %swap3A_99 : vector<1x16xf32> to vector<16xf32>
      %swap3A_101 = vector.shape_cast %scan3A_86#2 : vector<16xf32> to vector<1x16xf32>
      tpu.vector_store %arg7[%swap3A_97, %swap3A_98], %swap3A_101 {strides = array<i32>} : memref<128x64xf32, #tpu.memory_space<vmem>>, vector<1x16xf32>,
      %swap3A_102 = arith.index_cast %mul3A_31 : i32 to index
      %swap3A_103 = arith.constant 48 : index
      %swap3A_104 = tpu.vector_load %arg7[%swap3A_102, %swap3A_103] {strides = array<i32>} : memref<128x64xf32, #tpu.memory_space<vmem>>, vector<1x16xf32>,
      %swap3A_105 = vector.shape_cast %swap3A_104 : vector<1x16xf32> to vector<16xf32>
      %swap3A_106 = vector.shape_cast %scan3A_86#3 : vector<16xf32> to vector<1x16xf32>
      tpu.vector_store %arg7[%swap3A_102, %swap3A_103], %swap3A_106 {strides = array<i32>} : memref<128x64xf32, #tpu.memory_space<vmem>>, vector<1x16xf32>,
      %add3A_107 = arith.constant 2 : i32
      %add3A_108 = arith.addi %mul3A_31, %add3A_107 : i32
      %lt3A = arith.constant 128 : i32
      %lt3A_109 = arith.cmpi slt, %add3A_108, %lt3A : i32
      %convert_element_type3A = arith.extui %lt3A_109 : i1 to i32
      %cond3A = arith.constant 0 : i32
      %cond3A_110 = arith.cmpi ne, %convert_element_type3A, %cond3A : i32
      scf.if %cond3A_110 {
        %add3A_167 = arith.constant 2 : i32
        %add3A_168 = arith.addi %mul3A_31, %add3A_167 : i32
        %mul3A_169 = arith.constant 200 : i32
        %mul3A_170 = arith.muli %add3A_168, %mul3A_169 : i32
        %mul3A_171 = arith.constant 200 : i32
        %mul3A_172 = arith.muli %add3A_168, %mul3A_171 : i32
        %add3A_173 = arith.constant 104 : i32
        %add3A_174 = arith.addi %mul3A_172, %add3A_173 : i32
        %dma_start3A_175 = arith.constant 0 : i32
        %dma_start3A_176 = arith.constant 0 : i32
        %dma_start3A_177 = arith.constant 0 : i32
        %dma_start3A_178 = tpu.memref_slice %arg6[%dma_start3A_175, %dma_start3A_176, %dma_start3A_177] : memref<2x200x64xf32, #tpu.memory_space<vmem>> -> memref<1x104x64xf32, #tpu.memory_space<vmem>>
        %dma_start3A_179 = tpu.memref_squeeze %dma_start3A_178 : memref<1x104x64xf32, #tpu.memory_space<vmem>> -> memref<104x64xf32, #tpu.memory_space<vmem>>
        %dma_start3A_180 = tpu.memref_slice %arg5[%mul3A_170] : memref<25600xi32, #tpu.memory_space<vmem>> -> memref<104xi32, #tpu.memory_space<vmem>>
        %dma_start3A_181 = arith.constant 0 : i32
        %dma_start3A_182 = arith.constant 0 : i32
        %dma_start3A_183 = tpu.memref_slice %arg3[%dma_start3A_181, %dma_start3A_182] : memref<1000000x64xf32, #tpu.memory_space<hbm>> -> memref<1000000x64xf32, #tpu.memory_space<hbm>>
        tpu.enqueue_indirect_dma source(%dma_start3A_183 : memref<1000000x64xf32, #tpu.memory_space<hbm>>) target(%dma_start3A_179 : memref<104x64xf32, #tpu.memory_space<vmem>>) offsets(%dma_start3A_180 : memref<104xi32, #tpu.memory_space<vmem>>) semaphore(%arg8 : memref<!tpu.dma_semaphore, #tpu.memory_space<semaphore_mem>>)
        %dma_start3A_184 = arith.constant 0 : i32
        %dma_start3A_185 = arith.constant 104 : i32
        %dma_start3A_186 = arith.constant 0 : i32
        %dma_start3A_187 = tpu.memref_slice %arg6[%dma_start3A_184, %dma_start3A_185, %dma_start3A_186] : memref<2x200x64xf32, #tpu.memory_space<vmem>> -> memref<1x96x64xf32, #tpu.memory_space<vmem>>
        %dma_start3A_188 = tpu.memref_squeeze %dma_start3A_187 : memref<1x96x64xf32, #tpu.memory_space<vmem>> -> memref<96x64xf32, #tpu.memory_space<vmem>>
        %dma_start3A_189 = tpu.memref_slice %arg5[%add3A_174] : memref<25600xi32, #tpu.memory_space<vmem>> -> memref<96xi32, #tpu.memory_space<vmem>>
        %dma_start3A_190 = arith.constant 0 : i32
        %dma_start3A_191 = arith.constant 0 : i32
        %dma_start3A_192 = tpu.memref_slice %arg3[%dma_start3A_190, %dma_start3A_191] : memref<1000000x64xf32, #tpu.memory_space<hbm>> -> memref<1000000x64xf32, #tpu.memory_space<hbm>>
        tpu.enqueue_indirect_dma source(%dma_start3A_192 : memref<1000000x64xf32, #tpu.memory_space<hbm>>) target(%dma_start3A_188 : memref<96x64xf32, #tpu.memory_space<vmem>>) offsets(%dma_start3A_189 : memref<96xi32, #tpu.memory_space<vmem>>) semaphore(%arg8 : memref<!tpu.dma_semaphore, #tpu.memory_space<semaphore_mem>>)
      } else {
      }
      %add3A_111 = arith.constant 1 : i32
      %add3A_112 = arith.addi %mul3A_31, %add3A_111 : i32
      %mul3A_113 = arith.constant 200 : i32
      %mul3A_114 = arith.muli %add3A_112, %mul3A_113 : i32
      %mul3A_115 = arith.constant 200 : i32
      %mul3A_116 = arith.muli %add3A_112, %mul3A_115 : i32
      %add3A_117 = arith.constant 104 : i32
      %add3A_118 = arith.addi %mul3A_116, %add3A_117 : i32
      %dma_wait3A_119 = arith.constant 1 : i32
      %dma_wait3A_120 = arith.constant 0 : i32
      %dma_wait3A_121 = arith.constant 0 : i32
      %dma_wait3A_122 = tpu.memref_slice %arg6[%dma_wait3A_119, %dma_wait3A_120, %dma_wait3A_121] : memref<2x200x64xf32, #tpu.memory_space<vmem>> -> memref<1x104x64xf32, #tpu.memory_space<vmem>>
      %dma_wait3A_123 = tpu.memref_squeeze %dma_wait3A_122 : memref<1x104x64xf32, #tpu.memory_space<vmem>> -> memref<104x64xf32, #tpu.memory_space<vmem>>
      %dma_wait3A_124 = tpu.memref_slice %arg5[%mul3A_114] : memref<25600xi32, #tpu.memory_space<vmem>> -> memref<104xi32, #tpu.memory_space<vmem>>
      %dma_wait3A_125 = arith.constant 0 : i32
      %dma_wait3A_126 = arith.constant 0 : i32
      %dma_wait3A_127 = tpu.memref_slice %arg3[%dma_wait3A_125, %dma_wait3A_126] : memref<1000000x64xf32, #tpu.memory_space<hbm>> -> memref<1000000x64xf32, #tpu.memory_space<hbm>>
      tpu.wait_indirect_dma semaphore(%arg9 : memref<!tpu.dma_semaphore, #tpu.memory_space<semaphore_mem>>) src(%dma_wait3A_127 : memref<1000000x64xf32, #tpu.memory_space<hbm>>) dst(%dma_wait3A_123 : memref<104x64xf32, #tpu.memory_space<vmem>>)
      %dma_wait3A_128 = arith.constant 1 : i32
      %dma_wait3A_129 = arith.constant 104 : i32
      %dma_wait3A_130 = arith.constant 0 : i32
      %dma_wait3A_131 = tpu.memref_slice %arg6[%dma_wait3A_128, %dma_wait3A_129, %dma_wait3A_130] : memref<2x200x64xf32, #tpu.memory_space<vmem>> -> memref<1x96x64xf32, #tpu.memory_space<vmem>>
      %dma_wait3A_132 = tpu.memref_squeeze %dma_wait3A_131 : memref<1x96x64xf32, #tpu.memory_space<vmem>> -> memref<96x64xf32, #tpu.memory_space<vmem>>
      %dma_wait3A_133 = tpu.memref_slice %arg5[%add3A_118] : memref<25600xi32, #tpu.memory_space<vmem>> -> memref<96xi32, #tpu.memory_space<vmem>>
      %dma_wait3A_134 = arith.constant 0 : i32
      %dma_wait3A_135 = arith.constant 0 : i32
      %dma_wait3A_136 = tpu.memref_slice %arg3[%dma_wait3A_134, %dma_wait3A_135] : memref<1000000x64xf32, #tpu.memory_space<hbm>> -> memref<1000000x64xf32, #tpu.memory_space<hbm>>
      tpu.wait_indirect_dma semaphore(%arg9 : memref<!tpu.dma_semaphore, #tpu.memory_space<semaphore_mem>>) src(%dma_wait3A_136 : memref<1000000x64xf32, #tpu.memory_space<hbm>>) dst(%dma_wait3A_132 : memref<96x64xf32, #tpu.memory_space<vmem>>)
      %add3A_137 = arith.constant 1 : i32
      %add3A_138 = arith.addi %mul3A_31, %add3A_137 : i32
      %broadcast_in_dim3A_139 = arith.constant 0.000000e+00 : f32
      %broadcast_in_dim3A_140 = vector.broadcast %broadcast_in_dim3A_139 : f32 to vector<16xf32>
      %scan3A_141 = arith.constant 0 : i32
      %scan3A_142 = arith.constant 50 : i32
      %scan3A_143 = arith.addi %scan3A_141, %scan3A_142 : i32
      %scan3A_144 = arith.constant 1 : i32
      %scan3A_145:4 = scf.for %scan3A_167 = %scan3A_141 to %scan3A_143 step %scan3A_144 iter_args(%scan3A_168 = %broadcast_in_dim3A_140, %scan3A_169 = %broadcast_in_dim3A_140, %scan3A_170 = %broadcast_in_dim3A_140, %scan3A_171 = %broadcast_in_dim3A_140) -> (vector<16xf32>, vector<16xf32>, vector<16xf32>, vector<16xf32>)  : i32 {
        %mul3A_172 = arith.constant 4 : i32
        %mul3A_173 = arith.muli %scan3A_167, %mul3A_172 : i32
        %add3A_174 = arith.constant 0 : i32
        %add3A_175 = arith.addi %mul3A_173, %add3A_174 : i32
        %get3A = arith.constant 1 : i32
        %get3A_176 = arith.index_cast %get3A : i32 to index
        %get3A_177 = arith.index_cast %add3A_175 : i32 to index
        %get3A_178 = arith.constant 0 : index
        %get3A_179 = tpu.vector_load %arg6[%get3A_176, %get3A_177, %get3A_178] {strides = array<i32>} : memref<2x200x64xf32, #tpu.memory_space<vmem>>, vector<1x1x16xf32>,
        %get3A_180 = vector.shape_cast %get3A_179 : vector<1x1x16xf32> to vector<16xf32>
        %add3A_181 = arith.addf %scan3A_168, %get3A_180 : vector<16xf32>
        %add3A_182 = arith.constant 0 : i32
        %add3A_183 = arith.addi %mul3A_173, %add3A_182 : i32
        %get3A_184 = arith.constant 1 : i32
        %get3A_185 = arith.index_cast %get3A_184 : i32 to index
        %get3A_186 = arith.index_cast %add3A_183 : i32 to index
        %get3A_187 = arith.constant 16 : index
        %get3A_188 = tpu.vector_load %arg6[%get3A_185, %get3A_186, %get3A_187] {strides = array<i32>} : memref<2x200x64xf32, #tpu.memory_space<vmem>>, vector<1x1x16xf32>,
        %get3A_189 = vector.shape_cast %get3A_188 : vector<1x1x16xf32> to vector<16xf32>
        %add3A_190 = arith.addf %scan3A_169, %get3A_189 : vector<16xf32>
        %add3A_191 = arith.constant 0 : i32
        %add3A_192 = arith.addi %mul3A_173, %add3A_191 : i32
        %get3A_193 = arith.constant 1 : i32
        %get3A_194 = arith.index_cast %get3A_193 : i32 to index
        %get3A_195 = arith.index_cast %add3A_192 : i32 to index
        %get3A_196 = arith.constant 32 : index
        %get3A_197 = tpu.vector_load %arg6[%get3A_194, %get3A_195, %get3A_196] {strides = array<i32>} : memref<2x200x64xf32, #tpu.memory_space<vmem>>, vector<1x1x16xf32>,
        %get3A_198 = vector.shape_cast %get3A_197 : vector<1x1x16xf32> to vector<16xf32>
        %add3A_199 = arith.addf %scan3A_170, %get3A_198 : vector<16xf32>
        %add3A_200 = arith.constant 0 : i32
        %add3A_201 = arith.addi %mul3A_173, %add3A_200 : i32
        %get3A_202 = arith.constant 1 : i32
        %get3A_203 = arith.index_cast %get3A_202 : i32 to index
        %get3A_204 = arith.index_cast %add3A_201 : i32 to index
        %get3A_205 = arith.constant 48 : index
        %get3A_206 = tpu.vector_load %arg6[%get3A_203, %get3A_204, %get3A_205] {strides = array<i32>} : memref<2x200x64xf32, #tpu.memory_space<vmem>>, vector<1x1x16xf32>,
        %get3A_207 = vector.shape_cast %get3A_206 : vector<1x1x16xf32> to vector<16xf32>
        %add3A_208 = arith.addf %scan3A_171, %get3A_207 : vector<16xf32>
        %add3A_209 = arith.constant 1 : i32
        %add3A_210 = arith.addi %mul3A_173, %add3A_209 : i32
        %get3A_211 = arith.constant 1 : i32
        %get3A_212 = arith.index_cast %get3A_211 : i32 to index
        %get3A_213 = arith.index_cast %add3A_210 : i32 to index
        %get3A_214 = arith.constant 0 : index
        %get3A_215 = tpu.vector_load %arg6[%get3A_212, %get3A_213, %get3A_214] {strides = array<i32>} : memref<2x200x64xf32, #tpu.memory_space<vmem>>, vector<1x1x16xf32>,
        %get3A_216 = vector.shape_cast %get3A_215 : vector<1x1x16xf32> to vector<16xf32>
        %add3A_217 = arith.addf %add3A_181, %get3A_216 : vector<16xf32>
        %add3A_218 = arith.constant 1 : i32
        %add3A_219 = arith.addi %mul3A_173, %add3A_218 : i32
        %get3A_220 = arith.constant 1 : i32
        %get3A_221 = arith.index_cast %get3A_220 : i32 to index
        %get3A_222 = arith.index_cast %add3A_219 : i32 to index
        %get3A_223 = arith.constant 16 : index
        %get3A_224 = tpu.vector_load %arg6[%get3A_221, %get3A_222, %get3A_223] {strides = array<i32>} : memref<2x200x64xf32, #tpu.memory_space<vmem>>, vector<1x1x16xf32>,
        %get3A_225 = vector.shape_cast %get3A_224 : vector<1x1x16xf32> to vector<16xf32>
        %add3A_226 = arith.addf %add3A_190, %get3A_225 : vector<16xf32>
        %add3A_227 = arith.constant 1 : i32
        %add3A_228 = arith.addi %mul3A_173, %add3A_227 : i32
        %get3A_229 = arith.constant 1 : i32
        %get3A_230 = arith.index_cast %get3A_229 : i32 to index
        %get3A_231 = arith.index_cast %add3A_228 : i32 to index
        %get3A_232 = arith.constant 32 : index
        %get3A_233 = tpu.vector_load %arg6[%get3A_230, %get3A_231, %get3A_232] {strides = array<i32>} : memref<2x200x64xf32, #tpu.memory_space<vmem>>, vector<1x1x16xf32>,
        %get3A_234 = vector.shape_cast %get3A_233 : vector<1x1x16xf32> to vector<16xf32>
        %add3A_235 = arith.addf %add3A_199, %get3A_234 : vector<16xf32>
        %add3A_236 = arith.constant 1 : i32
        %add3A_237 = arith.addi %mul3A_173, %add3A_236 : i32
        %get3A_238 = arith.constant 1 : i32
        %get3A_239 = arith.index_cast %get3A_238 : i32 to index
        %get3A_240 = arith.index_cast %add3A_237 : i32 to index
        %get3A_241 = arith.constant 48 : index
        %get3A_242 = tpu.vector_load %arg6[%get3A_239, %get3A_240, %get3A_241] {strides = array<i32>} : memref<2x200x64xf32, #tpu.memory_space<vmem>>, vector<1x1x16xf32>,
        %get3A_243 = vector.shape_cast %get3A_242 : vector<1x1x16xf32> to vector<16xf32>
        %add3A_244 = arith.addf %add3A_208, %get3A_243 : vector<16xf32>
        %add3A_245 = arith.constant 2 : i32
        %add3A_246 = arith.addi %mul3A_173, %add3A_245 : i32
        %get3A_247 = arith.constant 1 : i32
        %get3A_248 = arith.index_cast %get3A_247 : i32 to index
        %get3A_249 = arith.index_cast %add3A_246 : i32 to index
        %get3A_250 = arith.constant 0 : index
        %get3A_251 = tpu.vector_load %arg6[%get3A_248, %get3A_249, %get3A_250] {strides = array<i32>} : memref<2x200x64xf32, #tpu.memory_space<vmem>>, vector<1x1x16xf32>,
        %get3A_252 = vector.shape_cast %get3A_251 : vector<1x1x16xf32> to vector<16xf32>
        %add3A_253 = arith.addf %add3A_217, %get3A_252 : vector<16xf32>
        %add3A_254 = arith.constant 2 : i32
        %add3A_255 = arith.addi %mul3A_173, %add3A_254 : i32
        %get3A_256 = arith.constant 1 : i32
        %get3A_257 = arith.index_cast %get3A_256 : i32 to index
        %get3A_258 = arith.index_cast %add3A_255 : i32 to index
        %get3A_259 = arith.constant 16 : index
        %get3A_260 = tpu.vector_load %arg6[%get3A_257, %get3A_258, %get3A_259] {strides = array<i32>} : memref<2x200x64xf32, #tpu.memory_space<vmem>>, vector<1x1x16xf32>,
        %get3A_261 = vector.shape_cast %get3A_260 : vector<1x1x16xf32> to vector<16xf32>
        %add3A_262 = arith.addf %add3A_226, %get3A_261 : vector<16xf32>
        %add3A_263 = arith.constant 2 : i32
        %add3A_264 = arith.addi %mul3A_173, %add3A_263 : i32
        %get3A_265 = arith.constant 1 : i32
        %get3A_266 = arith.index_cast %get3A_265 : i32 to index
        %get3A_267 = arith.index_cast %add3A_264 : i32 to index
        %get3A_268 = arith.constant 32 : index
        %get3A_269 = tpu.vector_load %arg6[%get3A_266, %get3A_267, %get3A_268] {strides = array<i32>} : memref<2x200x64xf32, #tpu.memory_space<vmem>>, vector<1x1x16xf32>,
        %get3A_270 = vector.shape_cast %get3A_269 : vector<1x1x16xf32> to vector<16xf32>
        %add3A_271 = arith.addf %add3A_235, %get3A_270 : vector<16xf32>
        %add3A_272 = arith.constant 2 : i32
        %add3A_273 = arith.addi %mul3A_173, %add3A_272 : i32
        %get3A_274 = arith.constant 1 : i32
        %get3A_275 = arith.index_cast %get3A_274 : i32 to index
        %get3A_276 = arith.index_cast %add3A_273 : i32 to index
        %get3A_277 = arith.constant 48 : index
        %get3A_278 = tpu.vector_load %arg6[%get3A_275, %get3A_276, %get3A_277] {strides = array<i32>} : memref<2x200x64xf32, #tpu.memory_space<vmem>>, vector<1x1x16xf32>,
        %get3A_279 = vector.shape_cast %get3A_278 : vector<1x1x16xf32> to vector<16xf32>
        %add3A_280 = arith.addf %add3A_244, %get3A_279 : vector<16xf32>
        %add3A_281 = arith.constant 3 : i32
        %add3A_282 = arith.addi %mul3A_173, %add3A_281 : i32
        %get3A_283 = arith.constant 1 : i32
        %get3A_284 = arith.index_cast %get3A_283 : i32 to index
        %get3A_285 = arith.index_cast %add3A_282 : i32 to index
        %get3A_286 = arith.constant 0 : index
        %get3A_287 = tpu.vector_load %arg6[%get3A_284, %get3A_285, %get3A_286] {strides = array<i32>} : memref<2x200x64xf32, #tpu.memory_space<vmem>>, vector<1x1x16xf32>,
        %get3A_288 = vector.shape_cast %get3A_287 : vector<1x1x16xf32> to vector<16xf32>
        %add3A_289 = arith.addf %add3A_253, %get3A_288 : vector<16xf32>
        %add3A_290 = arith.constant 3 : i32
        %add3A_291 = arith.addi %mul3A_173, %add3A_290 : i32
        %get3A_292 = arith.constant 1 : i32
        %get3A_293 = arith.index_cast %get3A_292 : i32 to index
        %get3A_294 = arith.index_cast %add3A_291 : i32 to index
        %get3A_295 = arith.constant 16 : index
        %get3A_296 = tpu.vector_load %arg6[%get3A_293, %get3A_294, %get3A_295] {strides = array<i32>} : memref<2x200x64xf32, #tpu.memory_space<vmem>>, vector<1x1x16xf32>,
        %get3A_297 = vector.shape_cast %get3A_296 : vector<1x1x16xf32> to vector<16xf32>
        %add3A_298 = arith.addf %add3A_262, %get3A_297 : vector<16xf32>
        %add3A_299 = arith.constant 3 : i32
        %add3A_300 = arith.addi %mul3A_173, %add3A_299 : i32
        %get3A_301 = arith.constant 1 : i32
        %get3A_302 = arith.index_cast %get3A_301 : i32 to index
        %get3A_303 = arith.index_cast %add3A_300 : i32 to index
        %get3A_304 = arith.constant 32 : index
        %get3A_305 = tpu.vector_load %arg6[%get3A_302, %get3A_303, %get3A_304] {strides = array<i32>} : memref<2x200x64xf32, #tpu.memory_space<vmem>>, vector<1x1x16xf32>,
        %get3A_306 = vector.shape_cast %get3A_305 : vector<1x1x16xf32> to vector<16xf32>
        %add3A_307 = arith.addf %add3A_271, %get3A_306 : vector<16xf32>
        %add3A_308 = arith.constant 3 : i32
        %add3A_309 = arith.addi %mul3A_173, %add3A_308 : i32
        %get3A_310 = arith.constant 1 : i32
        %get3A_311 = arith.index_cast %get3A_310 : i32 to index
        %get3A_312 = arith.index_cast %add3A_309 : i32 to index
        %get3A_313 = arith.constant 48 : index
        %get3A_314 = tpu.vector_load %arg6[%get3A_311, %get3A_312, %get3A_313] {strides = array<i32>} : memref<2x200x64xf32, #tpu.memory_space<vmem>>, vector<1x1x16xf32>,
        %get3A_315 = vector.shape_cast %get3A_314 : vector<1x1x16xf32> to vector<16xf32>
        %add3A_316 = arith.addf %add3A_280, %get3A_315 : vector<16xf32>
        scf.yield %add3A_289, %add3A_298, %add3A_307, %add3A_316 : vector<16xf32>, vector<16xf32>, vector<16xf32>, vector<16xf32>
      }
      %scan3A_146 = arith.constant 50 : i32
      %swap3A_147 = arith.index_cast %add3A_138 : i32 to index
      %swap3A_148 = arith.constant 0 : index
      %swap3A_149 = tpu.vector_load %arg7[%swap3A_147, %swap3A_148] {strides = array<i32>} : memref<128x64xf32, #tpu.memory_space<vmem>>, vector<1x16xf32>,
      %swap3A_150 = vector.shape_cast %swap3A_149 : vector<1x16xf32> to vector<16xf32>
      %swap3A_151 = vector.shape_cast %scan3A_145#0 : vector<16xf32> to vector<1x16xf32>
      tpu.vector_store %arg7[%swap3A_147, %swap3A_148], %swap3A_151 {strides = array<i32>} : memref<128x64xf32, #tpu.memory_space<vmem>>, vector<1x16xf32>,
      %swap3A_152 = arith.index_cast %add3A_138 : i32 to index
      %swap3A_153 = arith.constant 16 : index
      %swap3A_154 = tpu.vector_load %arg7[%swap3A_152, %swap3A_153] {strides = array<i32>} : memref<128x64xf32, #tpu.memory_space<vmem>>, vector<1x16xf32>,
      %swap3A_155 = vector.shape_cast %swap3A_154 : vector<1x16xf32> to vector<16xf32>
      %swap3A_156 = vector.shape_cast %scan3A_145#1 : vector<16xf32> to vector<1x16xf32>
      tpu.vector_store %arg7[%swap3A_152, %swap3A_153], %swap3A_156 {strides = array<i32>} : memref<128x64xf32, #tpu.memory_space<vmem>>, vector<1x16xf32>,
      %swap3A_157 = arith.index_cast %add3A_138 : i32 to index
      %swap3A_158 = arith.constant 32 : index
      %swap3A_159 = tpu.vector_load %arg7[%swap3A_157, %swap3A_158] {strides = array<i32>} : memref<128x64xf32, #tpu.memory_space<vmem>>, vector<1x16xf32>,
      %swap3A_160 = vector.shape_cast %swap3A_159 : vector<1x16xf32> to vector<16xf32>
      %swap3A_161 = vector.shape_cast %scan3A_145#2 : vector<16xf32> to vector<1x16xf32>
      tpu.vector_store %arg7[%swap3A_157, %swap3A_158], %swap3A_161 {strides = array<i32>} : memref<128x64xf32, #tpu.memory_space<vmem>>, vector<1x16xf32>,
      %swap3A_162 = arith.index_cast %add3A_138 : i32 to index
      %swap3A_163 = arith.constant 48 : index
      %swap3A_164 = tpu.vector_load %arg7[%swap3A_162, %swap3A_163] {strides = array<i32>} : memref<128x64xf32, #tpu.memory_space<vmem>>, vector<1x16xf32>,
      %swap3A_165 = vector.shape_cast %swap3A_164 : vector<1x16xf32> to vector<16xf32>
      %swap3A_166 = vector.shape_cast %scan3A_145#3 : vector<16xf32> to vector<1x16xf32>
      tpu.vector_store %arg7[%swap3A_162, %swap3A_163], %swap3A_166 {strides = array<i32>} : memref<128x64xf32, #tpu.memory_space<vmem>>, vector<1x16xf32>,
    }
    %scan3A_28 = arith.constant 64 : i32
    "tpu.region"() ({
      %run_scoped3A = tpu.sem_alloc : memref<!tpu.dma_semaphore, #tpu.memory_space<semaphore_mem>>
      %dma_start3A_29 = arith.constant 0 : i32
      %dma_start3A_30 = tpu.memref_slice %arg4[%mul3A_2, %dma_start3A_29] : memref<4096x64xf32, #tpu.memory_space<hbm>> -> memref<128x64xf32, #tpu.memory_space<hbm>>
      %dma_start3A_31 = arith.constant 0 : i32
      %dma_start3A_32 = tpu.memref_slice %arg4[%mul3A_2, %dma_start3A_31] : memref<4096x64xf32, #tpu.memory_space<hbm>> -> memref<128x64xf32, #tpu.memory_space<hbm>>
      tpu.enqueue_dma source(%arg7 : memref<128x64xf32, #tpu.memory_space<vmem>>) target(%dma_start3A_32 : memref<128x64xf32, #tpu.memory_space<hbm>>) target_semaphore(%run_scoped3A : memref<!tpu.dma_semaphore, #tpu.memory_space<semaphore_mem>>)
      %dma_wait3A = arith.constant 0 : i32
      %dma_wait3A_33 = tpu.memref_slice %arg4[%mul3A_2, %dma_wait3A] : memref<4096x64xf32, #tpu.memory_space<hbm>> -> memref<128x64xf32, #tpu.memory_space<hbm>>
      %dma_wait3A_34 = arith.constant 0 : i32
      %dma_wait3A_35 = tpu.memref_slice %arg4[%mul3A_2, %dma_wait3A_34] : memref<4096x64xf32, #tpu.memory_space<hbm>> -> memref<128x64xf32, #tpu.memory_space<hbm>>
      tpu.wait_dma2 semaphore(%run_scoped3A : memref<!tpu.dma_semaphore, #tpu.memory_space<semaphore_mem>>) src(%arg7 : memref<128x64xf32, #tpu.memory_space<vmem>>) dst(%dma_wait3A_35 : memref<128x64xf32, #tpu.memory_space<hbm>>)
      tpu.yield
    }) : () -> ()
    return
  }
}

module attributes {stable_mosaic.version = 14 : i64} {
  func.func @_head_kernel(%arg0: i32, %arg1: memref<512x64xf32, #tpu.memory_space<vmem>>, %arg2: memref<64x128xf32, #tpu.memory_space<vmem>>, %arg3: memref<1x128xf32, #tpu.memory_space<vmem>>, %arg4: memref<512x128xf32, #tpu.memory_space<vmem>>) attributes {dimension_semantics = [#tpu.dimension_semantics<arbitrary>], iteration_bounds = array<i64: 8>, scalar_prefetch = 0 : i64, scratch_operands = 0 : i64, tpu.core_type = #tpu.core_type<tc>, window_params = [{transform_indices = @transform_0, window_bounds = array<i64: 512, 64>}, {pipeline_mode = #tpu.pipeline_mode<synchronous>, transform_indices = @transform_1, window_bounds = array<i64: 64, 128>}, {pipeline_mode = #tpu.pipeline_mode<synchronous>, transform_indices = @transform_2, window_bounds = array<i64: 1, 128>}, {transform_indices = @transform_3, window_bounds = array<i64: 512, 128>}]} {
    %get3A = arith.constant 0 : index
    %get3A_0 = arith.constant 0 : index
    %get3A_1 = vector.load %arg1[%get3A, %get3A_0] : memref<512x64xf32, #tpu.memory_space<vmem>>, vector<512x64xf32>
    %get3A_2 = arith.constant 0 : index
    %get3A_3 = arith.constant 0 : index
    %get3A_4 = vector.load %arg2[%get3A_2, %get3A_3] : memref<64x128xf32, #tpu.memory_space<vmem>>, vector<64x128xf32>
    %dot_general3A = arith.constant dense<0.000000e+00> : vector<512x128xf32>
    %dot_general3A_5 = tpu.matmul %get3A_1, %get3A_4, %dot_general3A {dimension_numbers = #tpu.dot_dimension_numbers<[1], [0], [0], [1], [0, 0, 1, 1], [], []>, transpose_lhs_hint = false} : vector<512x64xf32>, vector<64x128xf32>, vector<512x128xf32> -> vector<512x128xf32>
    %get3A_6 = arith.constant 0 : index
    %get3A_7 = arith.constant 0 : index
    %get3A_8 = vector.load %arg3[%get3A_6, %get3A_7] : memref<1x128xf32, #tpu.memory_space<vmem>>, vector<1x128xf32>
    %add3A = vector.broadcast %get3A_8 : vector<1x128xf32> to vector<512x128xf32>
    %add3A_9 = arith.addf %dot_general3A_5, %add3A : vector<512x128xf32>
    %swap3A = arith.constant 0 : index
    %swap3A_10 = arith.constant 0 : index
    %swap3A_11 = vector.load %arg4[%swap3A, %swap3A_10] : memref<512x128xf32, #tpu.memory_space<vmem>>, vector<512x128xf32>
    tpu.vector_store %arg4[%swap3A, %swap3A_10], %add3A_9 {strides = array<i32>} : memref<512x128xf32, #tpu.memory_space<vmem>>, vector<512x128xf32>,
    return
  }
  func.func @transform_0(%arg0: i32) -> (i32, i32) {
    %c0_i32 = arith.constant 0 : i32
    %c0_i32_0 = arith.constant 0 : i32
    return %arg0, %c0_i32 : i32, i32
  }
  func.func @transform_1(%arg0: i32) -> (i32, i32) {
    %c0_i32 = arith.constant 0 : i32
    %c0_i32_0 = arith.constant 0 : i32
    %c0_i32_1 = arith.constant 0 : i32
    return %c0_i32, %c0_i32_0 : i32, i32
  }
  func.func @transform_2(%arg0: i32) -> (i32, i32) {
    %c0_i32 = arith.constant 0 : i32
    %c0_i32_0 = arith.constant 0 : i32
    %c0_i32_1 = arith.constant 0 : i32
    return %c0_i32, %c0_i32_0 : i32, i32
  }
  func.func @transform_3(%arg0: i32) -> (i32, i32) {
    %c0_i32 = arith.constant 0 : i32
    %c0_i32_0 = arith.constant 0 : i32
    return %arg0, %c0_i32 : i32, i32
  }
}

</mosaic_0001>

<sc_bundles>
// kernel: kernel.4.cloned.1.call-start
scs
__scs_entry_jumppad:
0x0: {  	(pc) =	sbr.rel $0x88, $3  }
0x1: {  	(tag) =	ssettag $0x0;
	lr =	simm.s32 $0x1  }
0x2: {  	[smem:$0x3F9D] =	sst lr;
	_ =	strace $0xD0000000  }
0x3: {  	_ = 	snop  }
0x4: {  	_ = 	snop  }
0x5: {  	_ = 	snop  }
0x6: {  	_ = 	snop  }
0x7: {  	_ = 	snop  }
__scs_overlays_trampoline_lowered:
0x8: {  	[smem:$0x3FAC] =	sst s0  }
0x9: {  	[smem:$0x3FAD] =	sst s1  }
0xa: {  	[smem:$0x3FAE] =	sst s2  }
0xb: {  	[smem:$0x3FAF] =	sst s3  }
0xc: {  	[smem:$0x3FB0] =	sst s4  }
0xd: {  	[smem:$0x3FB1] =	sst s5  }
0xe: {  	[smem:$0x3FB2] =	sst s6  }
0xf: {  	[smem:$0x3FB3] =	sst s7  }
0x10: {  	[smem:$0x3FB4] =	sst s8  }
0x11: {  	[smem:$0x3FB5] =	sst s9;
	s0 =	simm.s32 @!p0 $0x0  }
0x12: {  	s1 =	sld [smem:$0x3F9B];
	s0 =	simm.s32 @p0 $0x1  }
0x13: {  	[smem:$0x3FB6] =	sst s0;
	s0 =	simm.s32 @!p1 $0x0  }
0x14: {  	s2 =	sld [smem:$0x3F9A];
	s0 =	simm.s32 @p1 $0x1  }
0x15: {  	[smem:$0x3FB7] =	sst s0;
	s0 =	simm.s32 @!p2 $0x0  }
0x16: {  	s3 =	sld [smem:$0x3FDB];
	s0 =	simm.s32 @p2 $0x1  }
0x17: {  	s4 =	simm.s32 $0x1BF5;
	[smem:$0x3FB9] =	sst s0  }
0x18: {  	s0 =	sld [smem:$0x3F9C];
	_ =	swait.ge [sflag:s4], $0x0  }
0x19: {  	s7 =	sld [smem:$0x3F9D]  }
0x1a: {  	s8 =	sadd.s32 $0xFFFFE003, lr  }
0x1b: {  	s9 =	sadd.s32 $0xFFFFFEF7, lr;
	s5 =	simm.s32 $0xFFFFFFFF;
	p2 =	slt.u32 s8, $0xFFFFF086  }
0x1c: {  	p1 =	slt.u32 s9, $0xF7A;
	s5 =	simm.s32 @!p2 $0x0  }
0x1d: {  	s5 =	simm.s32 @p1 $0x1;
	p0 =	seq.s32 s7, s2  }
0x1e: {  	s7 =	smul.u32 @!p0 $0xF7A, s2;
	p2 =	seq.s32 @!p0 s5, $0x0  }
0x1f: {  	s9 =	smul.u32 $0xF7A, s1;
	s8 =	simm.s32 @!p0 $0x1BF5;
	p2 =	por !p2, p0  }
0x20: {  	[sflag:s8] =	ssyncset.s32 @!p0 $0xFFFFF086;
	s6 =	sadd.s32 @!p0 s3, s7;
	s7 =	simm.s32 @!p0 $0x108  }
0x21: {  	s3 =	sadd.s32 s3, s9;
	s6 =	sadd.s32 @!p0 $0x88, s6;
	s7 =	simm.s32 @p2 $0x1082  }
0x22: {  	[simem:s7], [sflag:s8] =	dma.local @!p0 [hbm:s6], $0xF7A  }
0x23: {  	s9 =	sor.u32 $0xD0000000, s2;
	s6 =	simm.s32 $0x108;
	_ =	swait.ge @!p0 [sflag:s8], $0x0  }
0x24: {  	s3 =	sadd.s32 $0x88, s3;
	s6 =	simm.s32 @!p1 $0x1082;
	[sflag:s4] =	ssyncset.s32 $0xFFFFF086  }
0x25: {  	[simem:s6], [sflag:s4] =	dma.local [hbm:s3], $0xF7A  }
0x26: {  	[smem:$0x3F9D] =	sst s1;
	(tag) =	ssettag s2;
	_ =	strace s9  }
0x27: {  	s1 =	sld [smem:$0x3FAD]  }
0x28: {  	s2 =	sld [smem:$0x3FAE]  }
0x29: {  	s4 =	sld [smem:$0x3FB0]  }
0x2a: {  	p0 =	seq.s32 s5, $0x0;
	s5 =	sld [smem:$0x3FB1]  }
0x2b: {  	s6 =	sld [smem:$0x3FB2]  }
0x2c: {  	s7 =	sld [smem:$0x3FB3]  }
0x2d: {  	s3 =	simm.s32 $0x108;
	s8 =	sld [smem:$0x3FB4]  }
0x2e: {  	s3 =	simm.s32 @!p0 $0x1082;
	s9 =	sld [smem:$0x3FB5]  }
0x2f: {  	lr =	sadd.s32 s0, s3;
	s0 =	sld [smem:$0x3FAC]  }
0x30: {  	s3 =	sld [smem:$0x3FAF]  }
0x31: {  	[smem:$0x3FB8] =	sst s10  }
0x32: {  	s10 =	sld [smem:$0x3FB6];
	_ =	sdelay $0x3  }
0x33: {  	p0 =	seq.s32 s10, $0x1;
	s10 =	sld [smem:$0x3FB8];
	_ =	sdelay $0x3  }
0x34: {  	[smem:$0x3FB8] =	sst s10  }
0x35: {  	s10 =	sld [smem:$0x3FB7];
	_ =	sdelay $0x3  }
0x36: {  	p1 =	seq.s32 s10, $0x1;
	s10 =	sld [smem:$0x3FB8];
	_ =	sdelay $0x3  }
0x37: {  	[smem:$0x3FB8] =	sst s10  }
0x38: {  	s10 =	sld [smem:$0x3FB9]  }
0x39: {  	_ = 	snop;
	(pc) =	sbr.ind lr, $3  }
0x3a: {  	_ = 	snop  }
0x3b: {  	_ = 	snop  }
0x3c: {  	p2 =	seq.s32 s10, $0x1;
	s10 =	sld [smem:$0x3FB8]  }
0x3d: {  	_ =	shalt  }
0x3e: {  	_ =	shalt  }
0x3f: {  	_ =	shalt  }
0x40: {  	_ =	shalt  }
0x41: {  	_ =	shalt  }
0x42: {  	_ =	shalt  }
0x43: {  	_ =	shalt  }
0x44: {  	_ =	shalt  }
0x45: {  	_ =	shalt  }
0x46: {  	_ =	shalt  }
0x47: {  	_ =	shalt  }
0x48: {  	_ =	shalt  }
0x49: {  	_ =	shalt  }
0x4a: {  	_ =	shalt  }
0x4b: {  	_ =	shalt  }
0x4c: {  	_ =	shalt  }
0x4d: {  	_ =	shalt  }
0x4e: {  	_ =	shalt  }
0x4f: {  	_ =	shalt  }
0x50: {  	_ =	shalt  }
0x51: {  	_ =	shalt  }
0x52: {  	_ =	shalt  }
0x53: {  	_ =	shalt  }
0x54: {  	_ =	shalt  }
0x55: {  	_ =	shalt  }
0x56: {  	_ =	shalt  }
0x57: {  	_ =	shalt  }
0x58: {  	_ =	shalt  }
0x59: {  	_ =	shalt  }
0x5a: {  	_ =	shalt  }
0x5b: {  	_ =	shalt  }
0x5c: {  	_ =	shalt  }
0x5d: {  	_ =	shalt  }
0x5e: {  	_ =	shalt  }
0x5f: {  	_ =	shalt  }
0x60: {  	_ =	shalt  }
0x61: {  	_ =	shalt  }
0x62: {  	_ =	shalt  }
0x63: {  	_ =	shalt  }
0x64: {  	_ =	shalt  }
0x65: {  	_ =	shalt  }
0x66: {  	_ =	shalt  }
0x67: {  	_ =	shalt  }
0x68: {  	_ =	shalt  }
0x69: {  	_ =	shalt  }
0x6a: {  	_ =	shalt  }
0x6b: {  	_ =	shalt  }
0x6c: {  	_ =	shalt  }
0x6d: {  	_ =	shalt  }
0x6e: {  	_ =	shalt  }
0x6f: {  	_ =	shalt  }
0x70: {  	_ =	shalt  }
0x71: {  	_ =	shalt  }
0x72: {  	_ =	shalt  }
0x73: {  	_ =	shalt  }
0x74: {  	_ =	shalt  }
0x75: {  	_ =	shalt  }
0x76: {  	_ =	shalt  }
0x77: {  	_ =	shalt  }
0x78: {  	_ =	shalt  }
0x79: {  	_ =	shalt  }
0x7a: {  	_ =	shalt  }
0x7b: {  	_ =	shalt  }
0x7c: {  	_ =	shalt  }
0x7d: {  	_ =	shalt  }
0x7e: {  	_ =	shalt  }
0x7f: {  	_ =	shalt  }
0x80: {  	_ =	shalt  }
0x81: {  	_ =	shalt  }
0x82: {  	_ =	shalt  }
0x83: {  	_ =	shalt  }
0x84: {  	_ =	shalt  }
0x85: {  	_ =	shalt  }
0x86: {  	_ =	shalt  }
0x87: {  	_ =	shalt  }
.Lfunc_end0:
.L_simem_size_0:
called_computation_lowered:
.L_overlay_start_0:
0x88: {  	s2 =	sld [smem:$0x3FD9]  }
0x89: {  	s3 =	sld [smem:$0x3FFE];
	_ =	sdelay $0x1  }
0x8a: {  	s1 =	srdreg.scid  }
0x8b: {  	s0 =	sand.u32 $0x1, s1  }
0x8c: {  	s17 =	sshll.u32 s0, $0xA;
	s2 =	sadd.s32 s3, s2  }
0x8d: {  	s2 =	sadd.s32 s2, s17  }
0x8e: {  	[smem:$0x3FC4] =	sst s2  }
0x8f: {  	_ = 	snop  }
0x90: {  	s2 =	sld [smem:$0x3FD0];
	(tm) =	ssettm $0x1  }
0x91: {  	s18 =	sld [smem:$0x3FFB];
	_ =	sdelay $0x3  }
0x92: {  	_ =	strace s18  }
0x93: {  	s3 =	sld [smem:$0x3FFC];
	_ =	sdelay $0x3  }
0x94: {  	_ =	strace s3  }
0x95: {  	s3 =	sld [smem:$0x3FFD];
	_ =	sdelay $0x3  }
0x96: {  	_ =	strace s3  }
0x97: {  	_ =	strace $0x8FFFFFFF  }
0x98: {  	s19 =	sld [smem:$0x3FDB];
	_ =	sdelay $0x1  }
0x99: {  	s4 =	simm.s32 $_scs_section_size  }
0x9a: {  	s5 =	simm.s32 $_size__tile_overlayer_lowered;
	s6 =	simm.s32 $_tile_overlayer_lowered  }
0x9b: {  	s22 =	simm.s32 $0x1BFF;
	s21 =	sshll.u32 s6, $0x1;
	s3 =	sadd.s32 s4, s19  }
0x9c: {  	s7 =	simm.s32 $0x0;
	s20 =	sshll.u32 s5, $0x1;
	s5 =	sadd.s32 s21, s3  }
0x9d: {  	[timem:s7], [sflag:s22] =	dma.local [hbm:s5], s20  }
0x9e: {  	_ =	swait.ge [sflag:s22], s20  }
0x9f: {  	s4 =	ssub.s32 $0x0, s20;
	[sflag:s22] =	ssyncset.done $0x0  }
0xa0: {  	[sflag:s22] =	ssyncadd.s32 s4;
	_ =	sdelay $0x1  }
0xa1: {  	s23 =	simm.s32 $0x1B8B  }
0xa2: {  	_ =	swait.ge [sflag:s23], $0x1  }
0xa3: {  	[sflag:s23] =	ssyncset.done $0x0  }
0xa4: {  	s25 =	simm.s32 $0x1B8E;
	s24 =	sld [smem:$0x3FFE];
	[sflag:s23] =	ssyncadd.s32 $0xFFFFFFFF  }
0xa5: {  	s26 =	simm.s32 $execute0_lowered;
	[smem:$0x3FD2] =	sst s25  }
0xa6: {  	s5 =	sshll.u32 s26, $0x1;
	_ =	strace $0x80000046;
	[dreg:$0x1] =	wrdreg $0xFFFFFFFF  }
0xa7: {  	s28 =	simm.s32 $_size_execute0_lowered;
	s3 =	sadd.s32 s3, s5;
	[dreg:$0x0] =	wrdreg $0x0  }
0xa8: {  	s5 =	sshll.u32 s28, $0x1;
	[dreg:$0x2] =	wrdreg s3  }
0xa9: {  	[dreg:$0x3] =	wrdreg s5  }
0xaa: {  	[dreg:$0x4] =	wrdreg $0xC0  }
0xab: {  	_ =	task [dreg:s7], $0x5FFFF  }
0xac: {  	[dreg:$0x1] =	wrdreg $0xFFFFFFFF  }
0xad: {  	[dreg:$0x0] =	wrdreg $0x60  }
0xae: {  	[dreg:$0x2] =	wrdreg s24  }
0xaf: {  	[dreg:$0x3] =	wrdreg s2  }
0xb0: {  	[dreg:$0x4] =	wrdreg $0x9  }
0xb1: {  	_ =	task.clear_ibuf [dreg:s7], $0x5FFFF;
	_ =	strace $0x90000046  }
0xb2: {  	s29 =	simm.s32 $0x9;
	_ =	strace $0x80000048  }
0xb3: {  	_ =	swait.ge [sflag:s29], $0x1  }
0xb4: {  	[sflag:s29] =	ssyncadd.s32 $0xFFFFFFFF  }
0xb5: {  	_ =	strace $0x90000048  }
0xb6: {  	_ =	sfence  }
0xb7: {  	s30 =	sld [smem:$0x0];
	_ =	sdelay $0x2  }
0xb8: {  	s31 =	sshll.u32 s1, $0xD;
	s1 =	sshrl.u32 s1, $0x2  }
0xb9: {  	s3 =	sand.u32 $0x4000, s31;
	s1 =	sadd.s32 s1, s30  }
0xba: {  	s0 =	sor.u32 s3, s0;
	s1 =	sshll.u32 s1, $0x11  }
0xbb: {  	s0 =	sor.u32 s1, s0  }
0xbc: {  	s0 =	sadd.s32 $0x8F2B, s0  }
0xbd: {  	[sflag:s0] =	ssyncadd.remote.s32 $0x1  }
0xbe: {  	_ =	sfence.sel $0xFFFF  }
0xbf: {  	[dreg:$0x0] =	wrdreg $0xFFFFFFFF;
	(pc) =	sbr.abs _section_cstart, $3  }
0xc0: {  	[dreg:$0x1] =	wrdreg $0xFFFFFFFF  }
0xc1: {  	_ =	task.clear_ibuf [dreg:s7], $0x2FFFF;
	_ =	strace $0x9FFFFFFF  }
0xc2: {  	(tm) =	ssettm $0x7FFFFFFF  }
0xc3: {  	_ =	shalt  }
tec
execute0_lowered:
.L_overlay_start_1:
0x0: {  	(tag) =	ssettag $0x1  }
0x1: {  	s1 =	srdreg.scid;
	s3 =	rddreg [dreg:$0x0]  }
0x2: {  	s0 =	stileid.u32;
	s5 =	rddreg [dreg:$0x1];
	s2 =	simm.s32 $0x0  }
0x3: {  	s9 =	simm.s32 $0x6400;
	s10 =	simm.s32 $0x60;
	s11 =	simm.s32 $0x7E00  }
0x4: {  	s12 =	simm.s32 $0x9600;
	s13 =	simm.s32 $0xB000;
	s14 =	simm.s32 $0x1  }
0x5: {  	s15 =	simm.s32 $0x2;
	s16 =	simm.s32 $0xC800;
	s17 =	simm.s32 $0x0  }
0x6: {  	s4 =	sand.u32 $0x1, s1;
	s31 =	sshll.u32 s0, $0x1;
	s1 =	rddreg [dreg:$0x2]  }
0x7: {  	[smem:$0x7FF] =	sst s2;
	s6 =	sor.u32 s4, s31;
	s4 =	ssub.s32 $0x2, s4  }
0x8: {  	s7 =	smul.u32 $0xC80, s6;
	s8 =	sshrl.u32 s4, $0x1;
	s6 =	sshll.u32 s6, $0xA  }
0x9: {  	_ =	strace $0x80000047;
	s8 =	ssub.s32 s4, s8;
	s5 =	sadd.s32 s5, s6  }
0xa: {  	s7 =	sadd.s32 s7, s3;
	s3 =	sadd.s32 $0xF42A00, s3;
	s6 =	smax.u32 s8, $0x1  }
0xb: {  	s8 =	simm.s32 $0x68;
	s4 =	sadd.s32 $0x600, s7;
	s7 =	simm.s32 $0x3  }
.LBB2_1:
0xc: {  	[tilespmem:s2], [sflag:$0x3] =	stream.linear.gather [hbm4b:s4+s2], $0x6400, $0x38;
	[tilespmem:$0xE800] =	vst v63  }
0xd: {  	_ =	swait.ge [sflag:s7], $0x6400  }
0xe: {  	[sflag:s7] =	ssyncset.done $0x0  }
0xf: {  	[sflag:s7] =	ssyncadd.s32 $0xFFFF9C00  }
0x10: {  	[tilespmem:s9], [sflag:$0x1] =	stream.indirect.gather [hbm4b:s3+s8], $0x40, s2, s8, $0xb8;
	[tilespmem:$0xE800] =	vst v63  }
0x11: {  	s18 =	simm.s32 $0x0  }
0x12: {  	[tilespmem:s11], [sflag:$0x1] =	stream.indirect.gather [hbm4b:s3+s10], $0x40, s8, s10, $0xb8;
	[tilespmem:$0xE800] =	vst v63  }
.LBB2_2:
0x13: {  	s19 =	sshllo.u32 s18, $0x1  }
0x14: {  	s20 =	smul.u32 $0x320, s19;
	_ =	sdelay $0x1  }
0x15: {  	s20 =	sshra.s32 s20, $0x2  }
0x16: {  	[tilespmem:s12], [sflag:$0x2] =	stream.indirect.gather [hbm4b:s3+s8], $0x40, s20, s8, $0xb8;
	[tilespmem:$0xE800] =	vst v63  }
0x17: {  	s20 =	sadd.s32 $0x68, s20  }
0x18: {  	[tilespmem:s13], [sflag:$0x2] =	stream.indirect.gather [hbm4b:s3+s10], $0x40, s20, s10, $0xb8;
	[tilespmem:$0xE800] =	vst v63  }
0x19: {  	_ =	swait.ge [sflag:s14], $0x1A00  }
0x1a: {  	[sflag:s14] =	ssyncset.done $0x0  }
0x1b: {  	[sflag:s14] =	ssyncadd.s32 $0xFFFFE600  }
0x1c: {  	_ =	swait.ge [sflag:s14], $0x1800  }
0x1d: {  	[sflag:s14] =	ssyncset.done $0x0  }
0x1e: {  	s20 =	simm.s32 $0x0;
	[sflag:s14] =	ssyncadd.s32 $0xFFFFE800  }
0x1f: {  	v0 =	vld [tilespmem:s20+$0x64C0]  }
0x20: {  	v1 =	vld [tilespmem:s20+$0x64D0]  }
0x21: {  	v2 =	vld [tilespmem:s20+$0x6480]  }
0x22: {  	v3 =	vld [tilespmem:s20+$0x6490]  }
0x23: {  	v4 =	vld [tilespmem:s20+$0x6440]  }
0x24: {  	v5 =	vld [tilespmem:s20+$0x6450]  }
0x25: {  	v10 =	vld [tilespmem:s20+$0x6400]  }
0x26: {  	v6 =	vimm.f32 $0.0e+00;
	v12 =	vld [tilespmem:s20+$0x6410]  }
0x27: {  	s21 =	simm.s32 $0x400;
	v9 =	vimm.f32 $0.0e+00;
	v8 =	vimm.f32 $0.0e+00;
	v7 =	vimm.f32 $0.0e+00;
	v11 =	vld [tilespmem:s20+$0x6420]  }
.LBB2_3:
0x28: {  	p0 =	sne.s32 s21, $0xC400;
	v13 =	vld [tilespmem:s20+$0x6430]  }
0x29: {  	v14 =	vld [tilespmem:s20+$0x6460]  }
0x2a: {  	v15 =	vld [tilespmem:s20+$0x6470]  }
0x2b: {  	v16 =	vld [tilespmem:s20+$0x64A0]  }
0x2c: {  	v6 =	vadd.f32 v10, v6;
	v9 =	vadd.f32 v12, v9;
	v10 =	vld [tilespmem:s20+$0x64B0]  }
0x2d: {  	v8 =	vadd.f32 v11, v8;
	v7 =	vadd.f32 v13, v7;
	v11 =	vld [tilespmem:s20+$0x64E0]  }
0x2e: {  	v4 =	vadd.f32 v4, v6;
	v5 =	vadd.f32 v5, v9;
	v12 =	vld [tilespmem:s20+$0x64F0];
	s20 =	sshra.s32 s21, $0x2  }
0x2f: {  	v6 =	vadd.f32 v14, v8;
	v13 =	vld [tilespmem:s20+$0x64C0];
	v7 =	vadd.f32 v15, v7  }
0x30: {  	v4 =	vadd.f32 v2, v4;
	v5 =	vadd.f32 v3, v5;
	v14 =	vld [tilespmem:s20+$0x64D0]  }
0x31: {  	v8 =	vadd.f32 v16, v6;
	v2 =	vld [tilespmem:s20+$0x6480];
	v7 =	vadd.f32 v10, v7  }
0x32: {  	v6 =	vadd.f32 v0, v4;
	v9 =	vadd.f32 v1, v5;
	v3 =	vld [tilespmem:s20+$0x6490]  }
.Ltmp0:
0x33: {  	v8 =	vadd.f32 v11, v8;
	v4 =	vld [tilespmem:s20+$0x6440];
	v7 =	vadd.f32 v12, v7;
	(pc) =	sbr.rel @p0 .LBB2_3-.Ltmp0, $4  }
0x34: {  	v5 =	vld [tilespmem:s20+$0x6450];
	v0 =	vmov v13  }
0x35: {  	v10 =	vld [tilespmem:s20+$0x6400];
	v1 =	vmov v14  }
0x36: {  	v12 =	vld [tilespmem:s20+$0x6410]  }
0x37: {  	s21 =	sadd.s32 $0x400, s21;
	v11 =	vld [tilespmem:s20+$0x6420]  }
0x38: {  	v13 =	vld [tilespmem:s20+$0x6430]  }
0x39: {  	v14 =	vld [tilespmem:s20+$0x6460]  }
0x3a: {  	v15 =	vld [tilespmem:s20+$0x6470];
	v6 =	vadd.f32 v10, v6  }
0x3b: {  	v10 =	vld [tilespmem:s20+$0x64A0];
	v9 =	vadd.f32 v12, v9  }
0x3c: {  	v12 =	vld [tilespmem:s20+$0x64B0];
	v8 =	vadd.f32 v11, v8;
	v4 =	vadd.f32 v4, v6  }
0x3d: {  	v6 =	vadd.f32 v13, v7;
	v7 =	vld [tilespmem:s20+$0x64E0];
	v5 =	vadd.f32 v5, v9  }
0x3e: {  	v9 =	vld [tilespmem:s20+$0x64F0];
	v8 =	vadd.f32 v14, v8;
	v2 =	vadd.f32 v2, v4  }
0x3f: {  	v4 =	vadd.f32 v15, v6;
	v3 =	vadd.f32 v3, v5  }
0x40: {  	s31 =	sshll.u32 s18, $0x7;
	v5 =	vadd.f32 v10, v8;
	v0 =	vadd.f32 v0, v2  }
0x41: {  	p0 =	seq.s32 s18, $0x3F;
	s20 =	sand.u32 $0x3FFFFF80, s31;
	v2 =	vadd.f32 v12, v4;
	v1 =	vadd.f32 v1, v3  }
0x42: {  	s21 =	smul.u32 @!p0 $0x640, s18;
	v3 =	vadd.f32 v7, v5;
	[tilespmem:s20+$0xC800] =	vst v0  }
0x43: {  	v0 =	vadd.f32 v9, v2;
	[tilespmem:s20+$0xC810] =	vst v1  }
0x44: {  	s21 =	sshra.s32 @!p0 s21, $0x2;
	[tilespmem:s20+$0xC820] =	vst v3  }
0x45: {  	s22 =	simm.s32 @!p0 $0x68;
	s23 =	simm.s32 @!p0 $0x6400;
	[tilespmem:s20+$0xC830] =	vst v0;
	s20 =	sadd.s32 @!p0 $0x190, s21  }
0x46: {  	[tilespmem:s23], [sflag:$0x1] =	stream.indirect.gather @!p0 [hbm4b:s3+s22], $0x40, s20, s22, $0xb8;
	[tilespmem:$0xE800] =	vst v63  }
0x47: {  	s20 =	sadd.s32 @!p0 $0x1F8, s21;
	s21 =	simm.s32 @!p0 $0x60;
	s22 =	simm.s32 @!p0 $0x7E00  }
0x48: {  	[tilespmem:s22], [sflag:$0x1] =	stream.indirect.gather @!p0 [hbm4b:s3+s21], $0x40, s20, s21, $0xb8;
	[tilespmem:$0xE800] =	vst v63  }
0x49: {  	_ =	swait.ge [sflag:s15], $0x1A00  }
0x4a: {  	[sflag:s15] =	ssyncset.done $0x0  }
0x4b: {  	[sflag:s15] =	ssyncadd.s32 $0xFFFFE600  }
0x4c: {  	_ =	swait.ge [sflag:s15], $0x1800  }
0x4d: {  	[sflag:s15] =	ssyncset.done $0x0  }
0x4e: {  	s20 =	simm.s32 $0x0;
	[sflag:s15] =	ssyncadd.s32 $0xFFFFE800  }
0x4f: {  	v0 =	vld [tilespmem:s20+$0x96C0]  }
0x50: {  	v1 =	vld [tilespmem:s20+$0x96D0]  }
0x51: {  	v2 =	vld [tilespmem:s20+$0x9680]  }
0x52: {  	v3 =	vld [tilespmem:s20+$0x9690]  }
0x53: {  	v4 =	vld [tilespmem:s20+$0x9640]  }
0x54: {  	v5 =	vld [tilespmem:s20+$0x9650]  }
0x55: {  	v10 =	vld [tilespmem:s20+$0x9600]  }
0x56: {  	v6 =	vimm.f32 $0.0e+00;
	v12 =	vld [tilespmem:s20+$0x9610]  }
0x57: {  	v8 =	vimm.f32 $0.0e+00;
	v7 =	vimm.f32 $0.0e+00;
	v9 =	vimm.f32 $0.0e+00;
	s21 =	simm.s32 $0x400;
	v11 =	vld [tilespmem:s20+$0x9620]  }
.LBB2_5:
0x58: {  	p0 =	sne.s32 s21, $0xC400;
	v13 =	vld [tilespmem:s20+$0x9630]  }
0x59: {  	v14 =	vld [tilespmem:s20+$0x9660]  }
0x5a: {  	v15 =	vld [tilespmem:s20+$0x9670]  }
0x5b: {  	v16 =	vld [tilespmem:s20+$0x96A0]  }
0x5c: {  	v6 =	vadd.f32 v10, v6;
	v9 =	vadd.f32 v12, v9;
	v10 =	vld [tilespmem:s20+$0x96B0]  }
0x5d: {  	v8 =	vadd.f32 v11, v8;
	v7 =	vadd.f32 v13, v7;
	v11 =	vld [tilespmem:s20+$0x96E0]  }
0x5e: {  	v4 =	vadd.f32 v4, v6;
	v5 =	vadd.f32 v5, v9;
	v12 =	vld [tilespmem:s20+$0x96F0];
	s20 =	sshra.s32 s21, $0x2  }
0x5f: {  	v6 =	vadd.f32 v14, v8;
	v13 =	vld [tilespmem:s20+$0x96C0];
	v7 =	vadd.f32 v15, v7  }
0x60: {  	v4 =	vadd.f32 v2, v4;
	v5 =	vadd.f32 v3, v5;
	v14 =	vld [tilespmem:s20+$0x96D0]  }
0x61: {  	v8 =	vadd.f32 v16, v6;
	v2 =	vld [tilespmem:s20+$0x9680];
	v7 =	vadd.f32 v10, v7  }
0x62: {  	v6 =	vadd.f32 v0, v4;
	v9 =	vadd.f32 v1, v5;
	v3 =	vld [tilespmem:s20+$0x9690]  }
.Ltmp1:
0x63: {  	v8 =	vadd.f32 v11, v8;
	v4 =	vld [tilespmem:s20+$0x9640];
	v7 =	vadd.f32 v12, v7;
	(pc) =	sbr.rel @p0 .LBB2_5-.Ltmp1, $4  }
0x64: {  	v5 =	vld [tilespmem:s20+$0x9650];
	v0 =	vmov v13  }
0x65: {  	v10 =	vld [tilespmem:s20+$0x9600];
	v1 =	vmov v14  }
0x66: {  	v12 =	vld [tilespmem:s20+$0x9610]  }
0x67: {  	s21 =	sadd.s32 $0x400, s21;
	v11 =	vld [tilespmem:s20+$0x9620]  }
0x68: {  	v13 =	vld [tilespmem:s20+$0x9630]  }
0x69: {  	v14 =	vld [tilespmem:s20+$0x9660]  }
0x6a: {  	v15 =	vld [tilespmem:s20+$0x9670];
	v6 =	vadd.f32 v10, v6  }
0x6b: {  	v54 =	vld [tilespmem:s20+$0x96A0];
	v9 =	vadd.f32 v12, v9  }
0x6c: {  	v55 =	vld [tilespmem:s20+$0x96B0];
	v8 =	vadd.f32 v11, v8;
	v4 =	vadd.f32 v4, v6  }
0x6d: {  	v57 =	vld [tilespmem:s20+$0x96E0];
	v56 =	vadd.f32 v13, v7;
	v5 =	vadd.f32 v5, v9  }
0x6e: {  	v58 =	vld [tilespmem:s20+$0x96F0];
	v8 =	vadd.f32 v14, v8;
	v2 =	vadd.f32 v2, v4  }
0x6f: {  	s18 =	sadd.s32 $0x1, s18;
	v59 =	vadd.f32 v15, v56;
	v3 =	vadd.f32 v3, v5  }
0x70: {  	s19 =	sshll.u32 s19, $0x6;
	p0 =	sne.s32 s18, $0x40;
	v60 =	vadd.f32 v54, v8;
	v0 =	vadd.f32 v0, v2  }
.Ltmp2:
0x71: {  	s19 =	sand.u32 $0x3FFFFFC0, s19;
	v61 =	vadd.f32 v55, v59;
	v1 =	vadd.f32 v1, v3;
	(pc) =	sbr.rel @p0 .LBB2_2-.Ltmp2, $4  }
0x72: {  	v62 =	vadd.f32 v57, v60;
	[tilespmem:s19+$0xC800] =	vst v0  }
0x73: {  	v63 =	vadd.f32 v58, v61;
	[tilespmem:s19+$0xC810] =	vst v1  }
0x74: {  	[tilespmem:s19+$0xC820] =	vst v62  }
0x75: {  	[tilespmem:s19+$0xC830] =	vst v63  }
0x76: {  	s17 =	sadd.s32 $0x1, s17  }
0x77: {  	p0 =	sne.s32 s17, s6  }
.Ltmp3:
0x78: {  	_ = 	snop;
	(pc) =	sbr.rel @p0 .LBB2_1-.Ltmp3, $4  }
0x79: {  	[hbm4b:s5+s2] =	stream.linear.scatter [tilespmem:s16], [sflag:$0x3], $0x2000, $0x38;
	[tilespmem:$0xE800] =	vst v63  }
0x7a: {  	_ =	swait.ge [sflag:s7], $0x2000  }
0x7b: {  	[sflag:s7] =	ssyncset.done $0x0  }
0x7c: {  	[sflag:s7] =	ssyncadd.s32 $0xFFFFE000  }
0x7d: {  	_ =	sfence.sel $0x180000  }
0x7e: {  	[bflag:$0x0] =	sbarrier.arrive $0xFFFF  }
0x7f: {  	p0 =	sne.s32 s0, $0x0;
	_ =	strace $0x90000047  }
0x80: {  	s0 =	sadd.s32 @!p0 $0x100000, s1;
	[bflag:$0x2] =	sbarrier.arrive $0xFFFF  }
0x81: {  	[sflag:s0] =	ssyncadd.tile.s32 @!p0 $0x1;
	_ =	shalt  }
.Lfunc_end2:
_tile_overlayer_lowered:
.L_overlay_start_2:
0x82: {  	(tag) =	ssettag $0x2  }
0x83: {  	s0 =	rddreg [dreg:$0x0];
	s2 =	stileid.u32  }
0x84: {  	s1 =	rddreg [dreg:$0x1];
	p0 =	sne.s32 s2, $0x0  }
0x85: {  	s3 =	rddreg [dreg:$0x2];
	[bflag:$0x3] =	sbarrier.arrive $0xFFFF;
	s2 =	simm.s32 @!p0 $0x1C03  }
0x86: {  	[timem:s3], [sflag:s2] =	dma.local @!p0 [hbm:s0], s1  }
0x87: {  	s0 =	simm.s32 @!p0 $0x3  }
0x88: {  	_ =	swait.ge @!p0 [sflag:s0], s1  }
0x89: {  	s1 =	ssub.s32 @!p0 $0x0, s1;
	[sflag:s0] =	ssyncset.done @!p0 $0x0  }
0x8a: {  	[sflag:s0] =	ssyncadd.s32 @!p0 s1  }
0x8b: {  	[bflag:$0x3] =	sbarrier.arrive $0xFFFF  }
0x8c: {  	_ =	shalt  }

</sc_bundles>
